<compile_context>
chip_gen: v7x
topology: tpu7x:2x2x1
jax: 0.10.2.dev20260603
libtpu: 0.0.44.dev20260713+nightly
codegen_flags: <defaults>
</compile_context>

<pallas_src>
import functools

import jax
import jax.numpy as jnp
from jax import lax
from jax.experimental import pallas as pl
from jax.experimental.pallas import tpu as pltpu
from jax.experimental.pallas import tpu_sc as plsc

_CROP = 7
_OFFSET = 0.5
_C = 256
_LANES = 16
_NW = 32
_S = 196
_WPAD = 256
_LVL_OFF = (0, 65536, 81920, 86016)
_LVL_W = (256, 128, 64, 32)
_BATCH_PITCH = 87040
_UNITS = ((0, 112, 0, 28), (112, 88, 28, 21))
_UROWS = 112


def _precompute(boxes):
    B, N = boxes.shape[:2]
    bw = boxes[:, :, 3] - boxes[:, :, 1]
    bh = boxes[:, :, 2] - boxes[:, :, 0]
    areas_sqrt = jnp.sqrt(bh * bw)
    levels_f = jnp.floor(jnp.log(areas_sqrt / 224.0) / jnp.log(2.0)) + 4.0
    levels = jnp.clip(levels_f.astype(jnp.int32), 2, 5)
    scale = jnp.power(2.0, levels.astype(jnp.float32)).astype(boxes.dtype)
    y1 = boxes[:, :, 0] / scale
    x1 = boxes[:, :, 1] / scale
    hs = bh / scale
    ws = bw / scale
    lvl0 = levels - 2
    strides = jnp.power(2.0, lvl0.astype(jnp.float32))
    bound = (256.0 / strides - 1.0).astype(boxes.dtype)
    i = jnp.arange(_CROP, dtype=boxes.dtype)
    gy = y1[..., None] + (i + _OFFSET)[None, None, :] * hs[..., None] / _CROP
    gx = x1[..., None] + (i + _OFFSET)[None, None, :] * ws[..., None] / _CROP
    y0 = jnp.maximum(0.0, jnp.floor(gy))
    x0 = jnp.maximum(0.0, jnp.floor(gx))
    x0 = jnp.minimum(x0, bound[..., None])
    x1g = jnp.minimum(x0 + 1.0, bound[..., None])
    y0 = jnp.minimum(y0, bound[..., None])
    y1g = jnp.minimum(y0 + 1.0, bound[..., None])
    ly = gy - y0
    lx = gx - x0
    ky = jnp.stack([1.0 - ly, ly], axis=-1).reshape(B, N, 14)
    kx = jnp.stack([1.0 - lx, lx], axis=-1).reshape(B, N, 14)
    yi = jnp.stack([y0, y1g], axis=-1).reshape(B, N, 14).astype(jnp.int32)
    xi = jnp.stack([x0, x1g], axis=-1).reshape(B, N, 14).astype(jnp.int32)
    base = (jnp.arange(B, dtype=jnp.int32) * _BATCH_PITCH)[:, None]
    base = base + jnp.array(_LVL_OFF, jnp.int32)[lvl0]
    wdim = jnp.array(_LVL_W, jnp.int32)[lvl0]
    idx = base[..., None, None] + (yi * wdim[..., None])[..., :, None] + xi[..., None, :]
    w = ky[..., :, None] * kx[..., None, :]
    idx = idx.reshape(B * N, _S)
    units = [jnp.pad(idx[:, s0:min(s0 + n, _S)],
                     ((0, 0), (0, 128 - min(s0 + n, _S) + s0)))
             for s0, n, _, _ in _UNITS]
    idx = jnp.stack(units, axis=1).reshape(B * N, len(_UNITS), 1, 128)
    w = jnp.pad(w.reshape(B * N, _S), ((0, 0), (0, _WPAD - _S)))
    return idx, w.reshape(B * N, 2, 128)


def _sc_roialign(table, idx, wts):
    nbox = idx.shape[0]
    bpw = nbox // _NW
    mesh = plsc.VectorSubcoreMesh(core_axis_name="c", subcore_axis_name="s")

    @functools.partial(
        pl.kernel,
        mesh=mesh,
        out_type=jax.ShapeDtypeStruct((nbox, _CROP * _CROP, _C), jnp.float32),
        scratch_types=[
            pltpu.VMEM((bpw, len(_UNITS), 1, 128), jnp.int32),
            pltpu.VMEM((_UROWS, _C), jnp.float32),
            pltpu.VMEM((_UROWS, _C), jnp.float32),
            pltpu.VMEM((_UROWS, _C), jnp.float32),
            pltpu.VMEM((_UROWS, _C), jnp.float32),
            pltpu.VMEM((8, _C), jnp.float32),
            pltpu.SemaphoreType.DMA,
            pltpu.SemaphoreType.DMA,
            pltpu.SemaphoreType.DMA,
            pltpu.SemaphoreType.DMA,
        ],
    )
    def k(table_hbm, idx_hbm, wts_hbm, out_hbm,
          idx_all, r0, r1, r2, r3, out_v, s0, s1, s2, s3):
        wid = lax.axis_index("s") * 2 + lax.axis_index("c")
        first = wid * bpw
        rings = (((r0, s0), (r1, s1)), ((r2, s2), (r3, s3)))

        pltpu.sync_copy(idx_hbm.at[pl.ds(first, bpw)], idx_all)

        def issue(b, u, par):
            s_base, n_rows, _, _ = _UNITS[u]
            rows_v, sem = rings[u][par]
            pltpu.async_copy(
                table_hbm.at[idx_all.at[b, u, 0, pl.ds(0, n_rows)]],
                rows_v.at[pl.ds(0, n_rows)], sem)

        def wait(b, u, par):
            s_base, n_rows, _, _ = _UNITS[u]
            rows_v, sem = rings[u][par]
            pltpu.make_async_copy(
                table_hbm.at[idx_all.at[b, u, 0, pl.ds(0, n_rows)]],
                rows_v.at[pl.ds(0, n_rows)], sem).wait()

        def interp(b, u):
            s_base, _, cell0, n_cells = _UNITS[u]
            rows_v, _ = rings[u]
            h_base = cell0 // _CROP

            def cell_body(cell, carry):
                h = cell // _CROP
                w = cell - h * _CROP
                g00 = 28 * h + 2 * w
                r00 = g00 - s_base
                c0 = g00 // _LANES
                l0 = g00 - c0 * _LANES
                g14 = g00 + 14
                c1 = g14 // _LANES
                l1 = g14 - c1 * _LANES
                wv0 = w_all[b, c0 // 8, pl.ds((c0 % 8) * _LANES, _LANES)]
                wv1 = w_all[b, c1 // 8, pl.ds((c1 % 8) * _LANES, _LANES)]

                def lane_bcast(vec, lane):
                    return lax.gather(
                        vec,
                        jnp.full((_LANES, 1), lane, jnp.int32),
                        lax.GatherDimensionNumbers(
                            offset_dims=(), collapsed_slice_dims=(0,),
                            start_index_map=(0,)),
                        slice_sizes=(1,),
                        mode=lax.GatherScatterMode.PROMISE_IN_BOUNDS)

                w00 = lane_bcast(wv0, l0)
                w01 = lane_bcast(wv0, l0 + 1)
                w10 = lane_bcast(wv1, l1)
                w11 = lane_bcast(wv1, l1 + 1)
                for cc in range(_C // _LANES):
                    sl = pl.ds(cc * _LANES, _LANES)
                    acc = w00 * rows_v[r00, sl]
                    acc = acc + w01 * rows_v[r00 + 1, sl]
                    acc = acc + w10 * rows_v[r00 + 14, sl]
                    acc = acc + w11 * rows_v[r00 + 15, sl]
                    out_v[cell, sl] = acc
                return carry

            lax.fori_loop(cell0, cell0 + n_cells, cell_body, 0)

        for u in range(2):
            issue(0, u, 0)
            issue(1, u, 1)

        def pair_body(g, carry):
            b0 = 2 * g
            for u in range(2):
                wait(b0, u, 0)
                issue(b0 + 2, u, 0)

            for u in range(2):
                wait(b0 + 1, u, 1)
                issue(b0 + 3, u, 1)

            return carry

        lax.fori_loop(0, bpw // 2 - 1, pair_body, 0)
        for u in range(2):
            wait(bpw - 2, u, 0)
            wait(bpw - 1, u, 1)
        pltpu.sync_copy(out_v, out_hbm.at[first + bpw - 1, pl.ds(0, 8)])

    return k(table, idx, wts)


def kernel(feat2, feat3, feat4, feat5, boxes):
    B, N = boxes.shape[:2]
    table = jnp.concatenate(
        [f.reshape(B, -1, _C) for f in (feat2, feat3, feat4, feat5)], axis=1
    ).reshape(-1, _C)
    idx, wts = _precompute(boxes)
    out = _sc_roialign(table, idx, wts)
    return out.reshape(B, N, _CROP, _CROP, _C)

# --- scband reference (transcript-rebuilt; emitter-appended) ---
"""Pipeline reference for scband-multilevel-roialigner-44435731644919 (READ-ONLY COPY).

The authoritative reference and input builder live on the scoring server;
editing this copy changes nothing except your own understanding.
"""

import jax, jax.numpy as jnp
import numpy as np

CROP_SIZE = 7
SAMPLE_OFFSET = 0.5
MIN_LEVEL = 2
MAX_LEVEL = 5


def setup_inputs(seed: int = 0):
    key = jax.random.key(seed)
    k1, k2, k3, k4, k5, k6, k7, k8 = jax.random.split(key, 8)
    B, C, N = 2, 256, 512
    feat2 = jax.random.normal(k1, (B, 256, 256, C), dtype=jnp.float32)
    feat3 = jax.random.normal(k2, (B, 128, 128, C), dtype=jnp.float32)
    feat4 = jax.random.normal(k3, (B, 64, 64, C), dtype=jnp.float32)
    feat5 = jax.random.normal(k4, (B, 32, 32, C), dtype=jnp.float32)
    # valid un-normalized boxes [y1, x1, y2, x2] on a 1024x1024 image
    cy = jax.random.uniform(k5, (B, N), dtype=jnp.float32) * 1024.0
    cx = jax.random.uniform(k6, (B, N), dtype=jnp.float32) * 1024.0
    bh = jax.random.uniform(k7, (B, N), dtype=jnp.float32) * 480.0 + 32.0
    bw = jax.random.uniform(k8, (B, N), dtype=jnp.float32) * 480.0 + 32.0
    y1 = jnp.clip(cy - bh / 2.0, 0.0, 1000.0)
    x1 = jnp.clip(cx - bw / 2.0, 0.0, 1000.0)
    y2 = jnp.clip(cy + bh / 2.0, y1 + 8.0, 1024.0)
    x2 = jnp.clip(cx + bw / 2.0, x1 + 8.0, 1024.0)
    boxes = jnp.stack([y1, x1, y2, x2], axis=-1)
    return {"feat2": feat2, "feat3": feat3, "feat4": feat4, "feat5": feat5, "boxes": boxes}


def compute_grid_positions(boxes, boundaries, output_size, sample_offset):
    batch_size, num_boxes, _ = boxes.shape
    i = jnp.arange(output_size, dtype=boxes.dtype)
    box_grid_x = boxes[:, :, 1:2] + (i + sample_offset)[None, None, :] * boxes[:, :, 3:4] / output_size
    box_grid_y = boxes[:, :, 0:1] + (i + sample_offset)[None, None, :] * boxes[:, :, 2:3] / output_size
    box_grid_y0 = jnp.maximum(0.0, jnp.floor(box_grid_y))
    box_grid_x0 = jnp.maximum(0.0, jnp.floor(box_grid_x))
    box_grid_x0 = jnp.minimum(box_grid_x0, boundaries[:, :, 1:2])
    box_grid_x1 = jnp.minimum(box_grid_x0 + 1.0, boundaries[:, :, 1:2])
    box_grid_y0 = jnp.minimum(box_grid_y0, boundaries[:, :, 0:1])
    box_grid_y1 = jnp.minimum(box_grid_y0 + 1.0, boundaries[:, :, 0:1])
    box_gridx0x1 = jnp.stack([box_grid_x0, box_grid_x1], axis=-1)
    box_gridy0y1 = jnp.stack([box_grid_y0, box_grid_y1], axis=-1)
    ly = box_grid_y - box_grid_y0
    lx = box_grid_x - box_grid_x0
    hy = 1.0 - ly
    hx = 1.0 - lx
    kernel_y = jnp.stack([hy, ly], axis=3).reshape(batch_size, num_boxes, output_size, 2, 1)
    kernel_x = jnp.stack([hx, lx], axis=3).reshape(batch_size, num_boxes, output_size, 2, 1)
    return kernel_y, kernel_x, box_gridy0y1, box_gridx0x1


def feature_bilinear_interpolation(features, kernel_y, kernel_x):
    batch_size, num_boxes, os2, _, num_filters = features.shape
    output_size = os2 // 2
    kernel_y = kernel_y.reshape(batch_size, num_boxes, output_size * 2, 1)
    kernel_x = kernel_x.reshape(batch_size, num_boxes, 1, output_size * 2)
    interpolation_kernel = kernel_y * kernel_x * 4.0
    features = features * interpolation_kernel[..., None]
    features = features.reshape(batch_size * num_boxes, output_size, 2, output_size, 2, num_filters)
    features = features.mean(axis=(2, 4))
    return features.reshape(batch_size, num_boxes, output_size, output_size, num_filters)


def multilevel_crop_and_resize(features, boxes, output_size=7, sample_offset=0.5):
    min_level, max_level = MIN_LEVEL, MAX_LEVEL
    batch_size, max_feature_height, max_feature_width, num_filters = features[min_level].shape
    features_all, feature_heights, feature_widths = [], [], []
    for level in range(min_level, max_level + 1):
        f = features[level]
        feature_heights.append(f.shape[1])
        feature_widths.append(f.shape[2])
        features_all.append(f.reshape(batch_size, -1, num_filters))
    features_r2 = jnp.concatenate(features_all, axis=1).reshape(-1, num_filters)
    level_dim_sizes = [feature_widths[i] * feature_heights[i] for i in range(len(feature_widths))]
    level_dim_offsets = [0]
    for i in range(len(feature_widths) - 1):
        level_dim_offsets.append(level_dim_offsets[i] + level_dim_sizes[i])
    batch_dim_size = level_dim_offsets[-1] + level_dim_sizes[-1]
    level_dim_offsets = jnp.array(level_dim_offsets, jnp.int32)
    height_dim_sizes = jnp.array(feature_widths, jnp.int32)
    num_boxes = boxes.shape[1]
    box_width = boxes[:, :, 3] - boxes[:, :, 1]
    box_height = boxes[:, :, 2] - boxes[:, :, 0]
    areas_sqrt = jnp.sqrt(box_height * box_width)
    levels = jnp.floor(jnp.log(areas_sqrt / 224.0) / jnp.log(2.0)) + 4.0
    levels = jnp.clip(levels.astype(jnp.int32), min_level, max_level)
    scale_to_level = jnp.power(2.0, levels.astype(jnp.float32)).astype(boxes.dtype)
    boxes = boxes / scale_to_level[:, :, None]
    box_width = box_width / scale_to_level
    box_height = box_height / scale_to_level
    boxes = jnp.concatenate([boxes[:, :, 0:2], box_height[..., None], box_width[..., None]], axis=-1)
    levels = levels - min_level
    level_strides = jnp.power(2.0, levels.astype(jnp.float32))
    boundary = jnp.stack([
        jnp.float32(max_feature_height) / level_strides - 1.0,
        jnp.float32(max_feature_width) / level_strides - 1.0,
    ], axis=-1).astype(boxes.dtype)
    kernel_y, kernel_x, box_gridy0y1, box_gridx0x1 = compute_grid_positions(
        boxes, boundary, output_size, sample_offset)
    x_indices = box_gridx0x1.reshape(batch_size, num_boxes, output_size * 2).astype(jnp.int32)
    y_indices = box_gridy0y1.reshape(batch_size, num_boxes, output_size * 2).astype(jnp.int32)
    batch_size_offset = (jnp.arange(batch_size, dtype=jnp.int32) * batch_dim_size).reshape(batch_size, 1, 1, 1)
    levels_offset = level_dim_offsets[levels].reshape(batch_size, num_boxes, 1, 1)
    y_indices_offset = (y_indices * height_dim_sizes[levels][..., None]).reshape(
        batch_size, num_boxes, output_size * 2, 1)
    x_indices_offset = x_indices.reshape(batch_size, num_boxes, 1, output_size * 2)
    indices = (batch_size_offset + levels_offset + y_indices_offset + x_indices_offset).reshape(-1)
    features_per_box = jnp.take(features_r2, indices, axis=0).reshape(
        batch_size, num_boxes, output_size * 2, output_size * 2, num_filters)
    return feature_bilinear_interpolation(features_per_box, kernel_y, kernel_x)


def reference(feat2, feat3, feat4, feat5, boxes):
    features = {2: feat2, 3: feat3, 4: feat4, 5: feat5}
    return multilevel_crop_and_resize(features, boxes, CROP_SIZE, SAMPLE_OFFSET)

if __name__ == "__main__":
    import jax
    _d = setup_inputs()
    print(jax.jit(kernel)(*tuple(_d.values())))

</pallas_src>

<mosaic_0001>
#map = affine_map<(d0, d1) -> (0, 0)>
#map1 = affine_map<(d0, d1) -> (0, 0, 0, 0)>
#map2 = affine_map<(d0, d1) -> (0, 0, 0)>
module attributes {stable_mosaic.version = 14 : i64} {
  func.func @k(%arg0: i32, %arg1: i32, %arg2: memref<174080x256xf32, #tpu.memory_space<hbm>>, %arg3: memref<1024x2x1x128xi32, #tpu.memory_space<hbm>>, %arg4: memref<1024x2x128xf32, #tpu.memory_space<hbm>>, %arg5: memref<1024x49x256xf32, #tpu.memory_space<hbm>>, %arg6: memref<32x2x1x128xi32, #tpu.memory_space<vmem>>, %arg7: memref<112x256xf32, #tpu.memory_space<vmem>>, %arg8: memref<112x256xf32, #tpu.memory_space<vmem>>, %arg9: memref<112x256xf32, #tpu.memory_space<vmem>>, %arg10: memref<112x256xf32, #tpu.memory_space<vmem>>, %arg11: memref<8x256xf32, #tpu.memory_space<vmem>>, %arg12: memref<!tpu.dma_semaphore, #tpu.memory_space<semaphore_mem>>, %arg13: memref<!tpu.dma_semaphore, #tpu.memory_space<semaphore_mem>>, %arg14: memref<!tpu.dma_semaphore, #tpu.memory_space<semaphore_mem>>, %arg15: memref<!tpu.dma_semaphore, #tpu.memory_space<semaphore_mem>>) attributes {dimension_semantics = [#tpu.dimension_semantics<core_parallel>, #tpu.dimension_semantics<subcore_parallel>], iteration_bounds = array<i64: 2, 16>, scalar_prefetch = 0 : i64, scratch_operands = 10 : i64, tpu.core_type = #tpu.core_type<sc_vector_subcore>, window_params = [{transform_indices = #map}, {transform_indices = #map1}, {transform_indices = #map2}, {transform_indices = #map2}]} {
    %mul3A = arith.constant 2 : i32
    %mul3A_0 = arith.muli %arg1, %mul3A : i32
    %add3A = arith.addi %mul3A_0, %arg0 : i32
    %mul3A_1 = arith.constant 32 : i32
    %mul3A_2 = arith.muli %add3A, %mul3A_1 : i32
    "tpu.region"() ({
      %run_scoped3A = tpu.sem_alloc : memref<!tpu.dma_semaphore, #tpu.memory_space<semaphore_mem>>
      %dma_start3A_105 = arith.constant 0 : i32
      %dma_start3A_106 = arith.constant 0 : i32
      %dma_start3A_107 = arith.constant 0 : i32
      %dma_start3A_108 = tpu.memref_slice %arg3[%mul3A_2, %dma_start3A_105, %dma_start3A_106, %dma_start3A_107] : memref<1024x2x1x128xi32, #tpu.memory_space<hbm>> -> memref<32x2x1x128xi32, #tpu.memory_space<hbm>>
      %dma_start3A_109 = arith.constant 0 : i32
      %dma_start3A_110 = arith.constant 0 : i32
      %dma_start3A_111 = arith.constant 0 : i32
      %dma_start3A_112 = tpu.memref_slice %arg3[%mul3A_2, %dma_start3A_109, %dma_start3A_110, %dma_start3A_111] : memref<1024x2x1x128xi32, #tpu.memory_space<hbm>> -> memref<32x2x1x128xi32, #tpu.memory_space<hbm>>
      tpu.enqueue_dma source(%dma_start3A_112 : memref<32x2x1x128xi32, #tpu.memory_space<hbm>>) target(%arg6 : memref<32x2x1x128xi32, #tpu.memory_space<vmem>>) target_semaphore(%run_scoped3A : memref<!tpu.dma_semaphore, #tpu.memory_space<semaphore_mem>>)
      %dma_wait3A_113 = arith.constant 0 : i32
      %dma_wait3A_114 = arith.constant 0 : i32
      %dma_wait3A_115 = arith.constant 0 : i32
      %dma_wait3A_116 = tpu.memref_slice %arg3[%mul3A_2, %dma_wait3A_113, %dma_wait3A_114, %dma_wait3A_115] : memref<1024x2x1x128xi32, #tpu.memory_space<hbm>> -> memref<32x2x1x128xi32, #tpu.memory_space<hbm>>
      %dma_wait3A_117 = arith.constant 0 : i32
      %dma_wait3A_118 = arith.constant 0 : i32
      %dma_wait3A_119 = arith.constant 0 : i32
      %dma_wait3A_120 = tpu.memref_slice %arg3[%mul3A_2, %dma_wait3A_117, %dma_wait3A_118, %dma_wait3A_119] : memref<1024x2x1x128xi32, #tpu.memory_space<hbm>> -> memref<32x2x1x128xi32, #tpu.memory_space<hbm>>
      tpu.wait_dma2 semaphore(%run_scoped3A : memref<!tpu.dma_semaphore, #tpu.memory_space<semaphore_mem>>) src(%dma_wait3A_120 : memref<32x2x1x128xi32, #tpu.memory_space<hbm>>) dst(%arg6 : memref<32x2x1x128xi32, #tpu.memory_space<vmem>>)
      tpu.yield
    }) : () -> ()
    %dma_start3A = arith.constant 0 : i32
    %dma_start3A_3 = arith.constant 0 : i32
    %dma_start3A_4 = arith.constant 0 : i32
    %dma_start3A_5 = arith.constant 0 : i32
    %dma_start3A_6 = arith.constant 0 : i32
    %dma_start3A_7 = tpu.memref_slice %arg7[%dma_start3A_5, %dma_start3A_6] : memref<112x256xf32, #tpu.memory_space<vmem>> -> memref<112x256xf32, #tpu.memory_space<vmem>>
    %dma_start3A_8 = arith.constant 0 : i32
    %dma_start3A_9 = tpu.memref_slice %arg6[%dma_start3A, %dma_start3A_3, %dma_start3A_4, %dma_start3A_8] : memref<32x2x1x128xi32, #tpu.memory_space<vmem>> -> memref<1x1x1x112xi32, #tpu.memory_space<vmem>>
    %dma_start3A_10 = tpu.memref_squeeze %dma_start3A_9 : memref<1x1x1x112xi32, #tpu.memory_space<vmem>> -> memref<112xi32, #tpu.memory_space<vmem>>
    %dma_start3A_11 = arith.constant 0 : i32
    %dma_start3A_12 = arith.constant 0 : i32
    %dma_start3A_13 = tpu.memref_slice %arg2[%dma_start3A_11, %dma_start3A_12] : memref<174080x256xf32, #tpu.memory_space<hbm>> -> memref<174080x256xf32, #tpu.memory_space<hbm>>
    tpu.enqueue_indirect_dma source(%dma_start3A_13 : memref<174080x256xf32, #tpu.memory_space<hbm>>) target(%dma_start3A_7 : memref<112x256xf32, #tpu.memory_space<vmem>>) offsets(%dma_start3A_10 : memref<112xi32, #tpu.memory_space<vmem>>) semaphore(%arg12 : memref<!tpu.dma_semaphore, #tpu.memory_space<semaphore_mem>>)
    %dma_start3A_14 = arith.constant 1 : i32
    %dma_start3A_15 = arith.constant 0 : i32
    %dma_start3A_16 = arith.constant 0 : i32
    %dma_start3A_17 = arith.constant 0 : i32
    %dma_start3A_18 = arith.constant 0 : i32
    %dma_start3A_19 = tpu.memref_slice %arg8[%dma_start3A_17, %dma_start3A_18] : memref<112x256xf32, #tpu.memory_space<vmem>> -> memref<112x256xf32, #tpu.memory_space<vmem>>
    %dma_start3A_20 = arith.constant 0 : i32
    %dma_start3A_21 = tpu.memref_slice %arg6[%dma_start3A_14, %dma_start3A_15, %dma_start3A_16, %dma_start3A_20] : memref<32x2x1x128xi32, #tpu.memory_space<vmem>> -> memref<1x1x1x112xi32, #tpu.memory_space<vmem>>
    %dma_start3A_22 = tpu.memref_squeeze %dma_start3A_21 : memref<1x1x1x112xi32, #tpu.memory_space<vmem>> -> memref<112xi32, #tpu.memory_space<vmem>>
    %dma_start3A_23 = arith.constant 0 : i32
    %dma_start3A_24 = arith.constant 0 : i32
    %dma_start3A_25 = tpu.memref_slice %arg2[%dma_start3A_23, %dma_start3A_24] : memref<174080x256xf32, #tpu.memory_space<hbm>> -> memref<174080x256xf32, #tpu.memory_space<hbm>>
    tpu.enqueue_indirect_dma source(%dma_start3A_25 : memref<174080x256xf32, #tpu.memory_space<hbm>>) target(%dma_start3A_19 : memref<112x256xf32, #tpu.memory_space<vmem>>) offsets(%dma_start3A_22 : memref<112xi32, #tpu.memory_space<vmem>>) semaphore(%arg13 : memref<!tpu.dma_semaphore, #tpu.memory_space<semaphore_mem>>)
    %dma_start3A_26 = arith.constant 0 : i32
    %dma_start3A_27 = arith.constant 1 : i32
    %dma_start3A_28 = arith.constant 0 : i32
    %dma_start3A_29 = arith.constant 0 : i32
    %dma_start3A_30 = arith.constant 0 : i32
    %dma_start3A_31 = tpu.memref_slice %arg9[%dma_start3A_29, %dma_start3A_30] : memref<112x256xf32, #tpu.memory_space<vmem>> -> memref<88x256xf32, #tpu.memory_space<vmem>>
    %dma_start3A_32 = arith.constant 0 : i32
    %dma_start3A_33 = tpu.memref_slice %arg6[%dma_start3A_26, %dma_start3A_27, %dma_start3A_28, %dma_start3A_32] : memref<32x2x1x128xi32, #tpu.memory_space<vmem>> -> memref<1x1x1x88xi32, #tpu.memory_space<vmem>>
    %dma_start3A_34 = tpu.memref_squeeze %dma_start3A_33 : memref<1x1x1x88xi32, #tpu.memory_space<vmem>> -> memref<88xi32, #tpu.memory_space<vmem>>
    %dma_start3A_35 = arith.constant 0 : i32
    %dma_start3A_36 = arith.constant 0 : i32
    %dma_start3A_37 = tpu.memref_slice %arg2[%dma_start3A_35, %dma_start3A_36] : memref<174080x256xf32, #tpu.memory_space<hbm>> -> memref<174080x256xf32, #tpu.memory_space<hbm>>
    tpu.enqueue_indirect_dma source(%dma_start3A_37 : memref<174080x256xf32, #tpu.memory_space<hbm>>) target(%dma_start3A_31 : memref<88x256xf32, #tpu.memory_space<vmem>>) offsets(%dma_start3A_34 : memref<88xi32, #tpu.memory_space<vmem>>) semaphore(%arg14 : memref<!tpu.dma_semaphore, #tpu.memory_space<semaphore_mem>>)
    %dma_start3A_38 = arith.constant 1 : i32
    %dma_start3A_39 = arith.constant 1 : i32
    %dma_start3A_40 = arith.constant 0 : i32
    %dma_start3A_41 = arith.constant 0 : i32
    %dma_start3A_42 = arith.constant 0 : i32
    %dma_start3A_43 = tpu.memref_slice %arg10[%dma_start3A_41, %dma_start3A_42] : memref<112x256xf32, #tpu.memory_space<vmem>> -> memref<88x256xf32, #tpu.memory_space<vmem>>
    %dma_start3A_44 = arith.constant 0 : i32
    %dma_start3A_45 = tpu.memref_slice %arg6[%dma_start3A_38, %dma_start3A_39, %dma_start3A_40, %dma_start3A_44] : memref<32x2x1x128xi32, #tpu.memory_space<vmem>> -> memref<1x1x1x88xi32, #tpu.memory_space<vmem>>
    %dma_start3A_46 = tpu.memref_squeeze %dma_start3A_45 : memref<1x1x1x88xi32, #tpu.memory_space<vmem>> -> memref<88xi32, #tpu.memory_space<vmem>>
    %dma_start3A_47 = arith.constant 0 : i32
    %dma_start3A_48 = arith.constant 0 : i32
    %dma_start3A_49 = tpu.memref_slice %arg2[%dma_start3A_47, %dma_start3A_48] : memref<174080x256xf32, #tpu.memory_space<hbm>> -> memref<174080x256xf32, #tpu.memory_space<hbm>>
    tpu.enqueue_indirect_dma source(%dma_start3A_49 : memref<174080x256xf32, #tpu.memory_space<hbm>>) target(%dma_start3A_43 : memref<88x256xf32, #tpu.memory_space<vmem>>) offsets(%dma_start3A_46 : memref<88xi32, #tpu.memory_space<vmem>>) semaphore(%arg15 : memref<!tpu.dma_semaphore, #tpu.memory_space<semaphore_mem>>)
    %scan3A = arith.constant 0 : i32
    %scan3A_50 = arith.constant 0 : i32
    %scan3A_51 = arith.constant 15 : i32
    %scan3A_52 = arith.addi %scan3A_50, %scan3A_51 : i32
    %scan3A_53 = arith.constant 1 : i32
    scf.for %scan3A_105 = %scan3A_50 to %scan3A_52 step %scan3A_53  : i32 {
      %mul3A_106 = arith.constant 2 : i32
      %mul3A_107 = arith.muli %mul3A_106, %scan3A_105 : i32
      %dma_wait3A_108 = arith.constant 0 : i32
      %dma_wait3A_109 = arith.constant 0 : i32
      %dma_wait3A_110 = arith.constant 0 : i32
      %dma_wait3A_111 = arith.constant 0 : i32
      %dma_wait3A_112 = tpu.memref_slice %arg7[%dma_wait3A_110, %dma_wait3A_111] : memref<112x256xf32, #tpu.memory_space<vmem>> -> memref<112x256xf32, #tpu.memory_space<vmem>>
      %dma_wait3A_113 = arith.constant 0 : i32
      %dma_wait3A_114 = tpu.memref_slice %arg6[%mul3A_107, %dma_wait3A_108, %dma_wait3A_109, %dma_wait3A_113] : memref<32x2x1x128xi32, #tpu.memory_space<vmem>> -> memref<1x1x1x112xi32, #tpu.memory_space<vmem>>
      %dma_wait3A_115 = tpu.memref_squeeze %dma_wait3A_114 : memref<1x1x1x112xi32, #tpu.memory_space<vmem>> -> memref<112xi32, #tpu.memory_space<vmem>>
      %dma_wait3A_116 = arith.constant 0 : i32
      %dma_wait3A_117 = arith.constant 0 : i32
      %dma_wait3A_118 = tpu.memref_slice %arg2[%dma_wait3A_116, %dma_wait3A_117] : memref<174080x256xf32, #tpu.memory_space<hbm>> -> memref<174080x256xf32, #tpu.memory_space<hbm>>
      tpu.wait_indirect_dma semaphore(%arg12 : memref<!tpu.dma_semaphore, #tpu.memory_space<semaphore_mem>>) src(%dma_wait3A_118 : memref<174080x256xf32, #tpu.memory_space<hbm>>) dst(%dma_wait3A_112 : memref<112x256xf32, #tpu.memory_space<vmem>>)
      %add3A_119 = arith.constant 2 : i32
      %add3A_120 = arith.addi %mul3A_107, %add3A_119 : i32
      %dma_start3A_121 = arith.constant 0 : i32
      %dma_start3A_122 = arith.constant 0 : i32
      %dma_start3A_123 = arith.constant 0 : i32
      %dma_start3A_124 = arith.constant 0 : i32
      %dma_start3A_125 = tpu.memref_slice %arg7[%dma_start3A_123, %dma_start3A_124] : memref<112x256xf32, #tpu.memory_space<vmem>> -> memref<112x256xf32, #tpu.memory_space<vmem>>
      %dma_start3A_126 = arith.constant 0 : i32
      %dma_start3A_127 = tpu.memref_slice %arg6[%add3A_120, %dma_start3A_121, %dma_start3A_122, %dma_start3A_126] : memref<32x2x1x128xi32, #tpu.memory_space<vmem>> -> memref<1x1x1x112xi32, #tpu.memory_space<vmem>>
      %dma_start3A_128 = tpu.memref_squeeze %dma_start3A_127 : memref<1x1x1x112xi32, #tpu.memory_space<vmem>> -> memref<112xi32, #tpu.memory_space<vmem>>
      %dma_start3A_129 = arith.constant 0 : i32
      %dma_start3A_130 = arith.constant 0 : i32
      %dma_start3A_131 = tpu.memref_slice %arg2[%dma_start3A_129, %dma_start3A_130] : memref<174080x256xf32, #tpu.memory_space<hbm>> -> memref<174080x256xf32, #tpu.memory_space<hbm>>
      tpu.enqueue_indirect_dma source(%dma_start3A_131 : memref<174080x256xf32, #tpu.memory_space<hbm>>) target(%dma_start3A_125 : memref<112x256xf32, #tpu.memory_space<vmem>>) offsets(%dma_start3A_128 : memref<112xi32, #tpu.memory_space<vmem>>) semaphore(%arg12 : memref<!tpu.dma_semaphore, #tpu.memory_space<semaphore_mem>>)
      %dma_wait3A_132 = arith.constant 1 : i32
      %dma_wait3A_133 = arith.constant 0 : i32
      %dma_wait3A_134 = arith.constant 0 : i32
      %dma_wait3A_135 = arith.constant 0 : i32
      %dma_wait3A_136 = tpu.memref_slice %arg9[%dma_wait3A_134, %dma_wait3A_135] : memref<112x256xf32, #tpu.memory_space<vmem>> -> memref<88x256xf32, #tpu.memory_space<vmem>>
      %dma_wait3A_137 = arith.constant 0 : i32
      %dma_wait3A_138 = tpu.memref_slice %arg6[%mul3A_107, %dma_wait3A_132, %dma_wait3A_133, %dma_wait3A_137] : memref<32x2x1x128xi32, #tpu.memory_space<vmem>> -> memref<1x1x1x88xi32, #tpu.memory_space<vmem>>
      %dma_wait3A_139 = tpu.memref_squeeze %dma_wait3A_138 : memref<1x1x1x88xi32, #tpu.memory_space<vmem>> -> memref<88xi32, #tpu.memory_space<vmem>>
      %dma_wait3A_140 = arith.constant 0 : i32
      %dma_wait3A_141 = arith.constant 0 : i32
      %dma_wait3A_142 = tpu.memref_slice %arg2[%dma_wait3A_140, %dma_wait3A_141] : memref<174080x256xf32, #tpu.memory_space<hbm>> -> memref<174080x256xf32, #tpu.memory_space<hbm>>
      tpu.wait_indirect_dma semaphore(%arg14 : memref<!tpu.dma_semaphore, #tpu.memory_space<semaphore_mem>>) src(%dma_wait3A_142 : memref<174080x256xf32, #tpu.memory_space<hbm>>) dst(%dma_wait3A_136 : memref<88x256xf32, #tpu.memory_space<vmem>>)
      %add3A_143 = arith.constant 2 : i32
      %add3A_144 = arith.addi %mul3A_107, %add3A_143 : i32
      %dma_start3A_145 = arith.constant 1 : i32
      %dma_start3A_146 = arith.constant 0 : i32
      %dma_start3A_147 = arith.constant 0 : i32
      %dma_start3A_148 = arith.constant 0 : i32
      %dma_start3A_149 = tpu.memref_slice %arg9[%dma_start3A_147, %dma_start3A_148] : memref<112x256xf32, #tpu.memory_space<vmem>> -> memref<88x256xf32, #tpu.memory_space<vmem>>
      %dma_start3A_150 = arith.constant 0 : i32
      %dma_start3A_151 = tpu.memref_slice %arg6[%add3A_144, %dma_start3A_145, %dma_start3A_146, %dma_start3A_150] : memref<32x2x1x128xi32, #tpu.memory_space<vmem>> -> memref<1x1x1x88xi32, #tpu.memory_space<vmem>>
      %dma_start3A_152 = tpu.memref_squeeze %dma_start3A_151 : memref<1x1x1x88xi32, #tpu.memory_space<vmem>> -> memref<88xi32, #tpu.memory_space<vmem>>
      %dma_start3A_153 = arith.constant 0 : i32
      %dma_start3A_154 = arith.constant 0 : i32
      %dma_start3A_155 = tpu.memref_slice %arg2[%dma_start3A_153, %dma_start3A_154] : memref<174080x256xf32, #tpu.memory_space<hbm>> -> memref<174080x256xf32, #tpu.memory_space<hbm>>
      tpu.enqueue_indirect_dma source(%dma_start3A_155 : memref<174080x256xf32, #tpu.memory_space<hbm>>) target(%dma_start3A_149 : memref<88x256xf32, #tpu.memory_space<vmem>>) offsets(%dma_start3A_152 : memref<88xi32, #tpu.memory_space<vmem>>) semaphore(%arg14 : memref<!tpu.dma_semaphore, #tpu.memory_space<semaphore_mem>>)
      %add3A_156 = arith.constant 1 : i32
      %add3A_157 = arith.addi %mul3A_107, %add3A_156 : i32
      %dma_wait3A_158 = arith.constant 0 : i32
      %dma_wait3A_159 = arith.constant 0 : i32
      %dma_wait3A_160 = arith.constant 0 : i32
      %dma_wait3A_161 = arith.constant 0 : i32
      %dma_wait3A_162 = tpu.memref_slice %arg8[%dma_wait3A_160, %dma_wait3A_161] : memref<112x256xf32, #tpu.memory_space<vmem>> -> memref<112x256xf32, #tpu.memory_space<vmem>>
      %dma_wait3A_163 = arith.constant 0 : i32
      %dma_wait3A_164 = tpu.memref_slice %arg6[%add3A_157, %dma_wait3A_158, %dma_wait3A_159, %dma_wait3A_163] : memref<32x2x1x128xi32, #tpu.memory_space<vmem>> -> memref<1x1x1x112xi32, #tpu.memory_space<vmem>>
      %dma_wait3A_165 = tpu.memref_squeeze %dma_wait3A_164 : memref<1x1x1x112xi32, #tpu.memory_space<vmem>> -> memref<112xi32, #tpu.memory_space<vmem>>
      %dma_wait3A_166 = arith.constant 0 : i32
      %dma_wait3A_167 = arith.constant 0 : i32
      %dma_wait3A_168 = tpu.memref_slice %arg2[%dma_wait3A_166, %dma_wait3A_167] : memref<174080x256xf32, #tpu.memory_space<hbm>> -> memref<174080x256xf32, #tpu.memory_space<hbm>>
      tpu.wait_indirect_dma semaphore(%arg13 : memref<!tpu.dma_semaphore, #tpu.memory_space<semaphore_mem>>) src(%dma_wait3A_168 : memref<174080x256xf32, #tpu.memory_space<hbm>>) dst(%dma_wait3A_162 : memref<112x256xf32, #tpu.memory_space<vmem>>)
      %add3A_169 = arith.constant 3 : i32
      %add3A_170 = arith.addi %mul3A_107, %add3A_169 : i32
      %dma_start3A_171 = arith.constant 0 : i32
      %dma_start3A_172 = arith.constant 0 : i32
      %dma_start3A_173 = arith.constant 0 : i32
      %dma_start3A_174 = arith.constant 0 : i32
      %dma_start3A_175 = tpu.memref_slice %arg8[%dma_start3A_173, %dma_start3A_174] : memref<112x256xf32, #tpu.memory_space<vmem>> -> memref<112x256xf32, #tpu.memory_space<vmem>>
      %dma_start3A_176 = arith.constant 0 : i32
      %dma_start3A_177 = tpu.memref_slice %arg6[%add3A_170, %dma_start3A_171, %dma_start3A_172, %dma_start3A_176] : memref<32x2x1x128xi32, #tpu.memory_space<vmem>> -> memref<1x1x1x112xi32, #tpu.memory_space<vmem>>
      %dma_start3A_178 = tpu.memref_squeeze %dma_start3A_177 : memref<1x1x1x112xi32, #tpu.memory_space<vmem>> -> memref<112xi32, #tpu.memory_space<vmem>>
      %dma_start3A_179 = arith.constant 0 : i32
      %dma_start3A_180 = arith.constant 0 : i32
      %dma_start3A_181 = tpu.memref_slice %arg2[%dma_start3A_179, %dma_start3A_180] : memref<174080x256xf32, #tpu.memory_space<hbm>> -> memref<174080x256xf32, #tpu.memory_space<hbm>>
      tpu.enqueue_indirect_dma source(%dma_start3A_181 : memref<174080x256xf32, #tpu.memory_space<hbm>>) target(%dma_start3A_175 : memref<112x256xf32, #tpu.memory_space<vmem>>) offsets(%dma_start3A_178 : memref<112xi32, #tpu.memory_space<vmem>>) semaphore(%arg13 : memref<!tpu.dma_semaphore, #tpu.memory_space<semaphore_mem>>)
      %add3A_182 = arith.constant 1 : i32
      %add3A_183 = arith.addi %mul3A_107, %add3A_182 : i32
      %dma_wait3A_184 = arith.constant 1 : i32
      %dma_wait3A_185 = arith.constant 0 : i32
      %dma_wait3A_186 = arith.constant 0 : i32
      %dma_wait3A_187 = arith.constant 0 : i32
      %dma_wait3A_188 = tpu.memref_slice %arg10[%dma_wait3A_186, %dma_wait3A_187] : memref<112x256xf32, #tpu.memory_space<vmem>> -> memref<88x256xf32, #tpu.memory_space<vmem>>
      %dma_wait3A_189 = arith.constant 0 : i32
      %dma_wait3A_190 = tpu.memref_slice %arg6[%add3A_183, %dma_wait3A_184, %dma_wait3A_185, %dma_wait3A_189] : memref<32x2x1x128xi32, #tpu.memory_space<vmem>> -> memref<1x1x1x88xi32, #tpu.memory_space<vmem>>
      %dma_wait3A_191 = tpu.memref_squeeze %dma_wait3A_190 : memref<1x1x1x88xi32, #tpu.memory_space<vmem>> -> memref<88xi32, #tpu.memory_space<vmem>>
      %dma_wait3A_192 = arith.constant 0 : i32
      %dma_wait3A_193 = arith.constant 0 : i32
      %dma_wait3A_194 = tpu.memref_slice %arg2[%dma_wait3A_192, %dma_wait3A_193] : memref<174080x256xf32, #tpu.memory_space<hbm>> -> memref<174080x256xf32, #tpu.memory_space<hbm>>
      tpu.wait_indirect_dma semaphore(%arg15 : memref<!tpu.dma_semaphore, #tpu.memory_space<semaphore_mem>>) src(%dma_wait3A_194 : memref<174080x256xf32, #tpu.memory_space<hbm>>) dst(%dma_wait3A_188 : memref<88x256xf32, #tpu.memory_space<vmem>>)
      %add3A_195 = arith.constant 3 : i32
      %add3A_196 = arith.addi %mul3A_107, %add3A_195 : i32
      %dma_start3A_197 = arith.constant 1 : i32
      %dma_start3A_198 = arith.constant 0 : i32
      %dma_start3A_199 = arith.constant 0 : i32
      %dma_start3A_200 = arith.constant 0 : i32
      %dma_start3A_201 = tpu.memref_slice %arg10[%dma_start3A_199, %dma_start3A_200] : memref<112x256xf32, #tpu.memory_space<vmem>> -> memref<88x256xf32, #tpu.memory_space<vmem>>
      %dma_start3A_202 = arith.constant 0 : i32
      %dma_start3A_203 = tpu.memref_slice %arg6[%add3A_196, %dma_start3A_197, %dma_start3A_198, %dma_start3A_202] : memref<32x2x1x128xi32, #tpu.memory_space<vmem>> -> memref<1x1x1x88xi32, #tpu.memory_space<vmem>>
      %dma_start3A_204 = tpu.memref_squeeze %dma_start3A_203 : memref<1x1x1x88xi32, #tpu.memory_space<vmem>> -> memref<88xi32, #tpu.memory_space<vmem>>
      %dma_start3A_205 = arith.constant 0 : i32
      %dma_start3A_206 = arith.constant 0 : i32
      %dma_start3A_207 = tpu.memref_slice %arg2[%dma_start3A_205, %dma_start3A_206] : memref<174080x256xf32, #tpu.memory_space<hbm>> -> memref<174080x256xf32, #tpu.memory_space<hbm>>
      tpu.enqueue_indirect_dma source(%dma_start3A_207 : memref<174080x256xf32, #tpu.memory_space<hbm>>) target(%dma_start3A_201 : memref<88x256xf32, #tpu.memory_space<vmem>>) offsets(%dma_start3A_204 : memref<88xi32, #tpu.memory_space<vmem>>) semaphore(%arg15 : memref<!tpu.dma_semaphore, #tpu.memory_space<semaphore_mem>>)
    }
    %scan3A_54 = arith.constant 15 : i32
    %dma_wait3A = arith.constant 30 : i32
    %dma_wait3A_55 = arith.constant 0 : i32
    %dma_wait3A_56 = arith.constant 0 : i32
    %dma_wait3A_57 = arith.constant 0 : i32
    %dma_wait3A_58 = arith.constant 0 : i32
    %dma_wait3A_59 = tpu.memref_slice %arg7[%dma_wait3A_57, %dma_wait3A_58] : memref<112x256xf32, #tpu.memory_space<vmem>> -> memref<112x256xf32, #tpu.memory_space<vmem>>
    %dma_wait3A_60 = arith.constant 0 : i32
    %dma_wait3A_61 = tpu.memref_slice %arg6[%dma_wait3A, %dma_wait3A_55, %dma_wait3A_56, %dma_wait3A_60] : memref<32x2x1x128xi32, #tpu.memory_space<vmem>> -> memref<1x1x1x112xi32, #tpu.memory_space<vmem>>
    %dma_wait3A_62 = tpu.memref_squeeze %dma_wait3A_61 : memref<1x1x1x112xi32, #tpu.memory_space<vmem>> -> memref<112xi32, #tpu.memory_space<vmem>>
    %dma_wait3A_63 = arith.constant 0 : i32
    %dma_wait3A_64 = arith.constant 0 : i32
    %dma_wait3A_65 = tpu.memref_slice %arg2[%dma_wait3A_63, %dma_wait3A_64] : memref<174080x256xf32, #tpu.memory_space<hbm>> -> memref<174080x256xf32, #tpu.memory_space<hbm>>
    tpu.wait_indirect_dma semaphore(%arg12 : memref<!tpu.dma_semaphore, #tpu.memory_space<semaphore_mem>>) src(%dma_wait3A_65 : memref<174080x256xf32, #tpu.memory_space<hbm>>) dst(%dma_wait3A_59 : memref<112x256xf32, #tpu.memory_space<vmem>>)
    %dma_wait3A_66 = arith.constant 31 : i32
    %dma_wait3A_67 = arith.constant 0 : i32
    %dma_wait3A_68 = arith.constant 0 : i32
    %dma_wait3A_69 = arith.constant 0 : i32
    %dma_wait3A_70 = arith.constant 0 : i32
    %dma_wait3A_71 = tpu.memref_slice %arg8[%dma_wait3A_69, %dma_wait3A_70] : memref<112x256xf32, #tpu.memory_space<vmem>> -> memref<112x256xf32, #tpu.memory_space<vmem>>
    %dma_wait3A_72 = arith.constant 0 : i32
    %dma_wait3A_73 = tpu.memref_slice %arg6[%dma_wait3A_66, %dma_wait3A_67, %dma_wait3A_68, %dma_wait3A_72] : memref<32x2x1x128xi32, #tpu.memory_space<vmem>> -> memref<1x1x1x112xi32, #tpu.memory_space<vmem>>
    %dma_wait3A_74 = tpu.memref_squeeze %dma_wait3A_73 : memref<1x1x1x112xi32, #tpu.memory_space<vmem>> -> memref<112xi32, #tpu.memory_space<vmem>>
    %dma_wait3A_75 = arith.constant 0 : i32
    %dma_wait3A_76 = arith.constant 0 : i32
    %dma_wait3A_77 = tpu.memref_slice %arg2[%dma_wait3A_75, %dma_wait3A_76] : memref<174080x256xf32, #tpu.memory_space<hbm>> -> memref<174080x256xf32, #tpu.memory_space<hbm>>
    tpu.wait_indirect_dma semaphore(%arg13 : memref<!tpu.dma_semaphore, #tpu.memory_space<semaphore_mem>>) src(%dma_wait3A_77 : memref<174080x256xf32, #tpu.memory_space<hbm>>) dst(%dma_wait3A_71 : memref<112x256xf32, #tpu.memory_space<vmem>>)
    %dma_wait3A_78 = arith.constant 30 : i32
    %dma_wait3A_79 = arith.constant 1 : i32
    %dma_wait3A_80 = arith.constant 0 : i32
    %dma_wait3A_81 = arith.constant 0 : i32
    %dma_wait3A_82 = arith.constant 0 : i32
    %dma_wait3A_83 = tpu.memref_slice %arg9[%dma_wait3A_81, %dma_wait3A_82] : memref<112x256xf32, #tpu.memory_space<vmem>> -> memref<88x256xf32, #tpu.memory_space<vmem>>
    %dma_wait3A_84 = arith.constant 0 : i32
    %dma_wait3A_85 = tpu.memref_slice %arg6[%dma_wait3A_78, %dma_wait3A_79, %dma_wait3A_80, %dma_wait3A_84] : memref<32x2x1x128xi32, #tpu.memory_space<vmem>> -> memref<1x1x1x88xi32, #tpu.memory_space<vmem>>
    %dma_wait3A_86 = tpu.memref_squeeze %dma_wait3A_85 : memref<1x1x1x88xi32, #tpu.memory_space<vmem>> -> memref<88xi32, #tpu.memory_space<vmem>>
    %dma_wait3A_87 = arith.constant 0 : i32
    %dma_wait3A_88 = arith.constant 0 : i32
    %dma_wait3A_89 = tpu.memref_slice %arg2[%dma_wait3A_87, %dma_wait3A_88] : memref<174080x256xf32, #tpu.memory_space<hbm>> -> memref<174080x256xf32, #tpu.memory_space<hbm>>
    tpu.wait_indirect_dma semaphore(%arg14 : memref<!tpu.dma_semaphore, #tpu.memory_space<semaphore_mem>>) src(%dma_wait3A_89 : memref<174080x256xf32, #tpu.memory_space<hbm>>) dst(%dma_wait3A_83 : memref<88x256xf32, #tpu.memory_space<vmem>>)
    %dma_wait3A_90 = arith.constant 31 : i32
    %dma_wait3A_91 = arith.constant 1 : i32
    %dma_wait3A_92 = arith.constant 0 : i32
    %dma_wait3A_93 = arith.constant 0 : i32
    %dma_wait3A_94 = arith.constant 0 : i32
    %dma_wait3A_95 = tpu.memref_slice %arg10[%dma_wait3A_93, %dma_wait3A_94] : memref<112x256xf32, #tpu.memory_space<vmem>> -> memref<88x256xf32, #tpu.memory_space<vmem>>
    %dma_wait3A_96 = arith.constant 0 : i32
    %dma_wait3A_97 = tpu.memref_slice %arg6[%dma_wait3A_90, %dma_wait3A_91, %dma_wait3A_92, %dma_wait3A_96] : memref<32x2x1x128xi32, #tpu.memory_space<vmem>> -> memref<1x1x1x88xi32, #tpu.memory_space<vmem>>
    %dma_wait3A_98 = tpu.memref_squeeze %dma_wait3A_97 : memref<1x1x1x88xi32, #tpu.memory_space<vmem>> -> memref<88xi32, #tpu.memory_space<vmem>>
    %dma_wait3A_99 = arith.constant 0 : i32
    %dma_wait3A_100 = arith.constant 0 : i32
    %dma_wait3A_101 = tpu.memref_slice %arg2[%dma_wait3A_99, %dma_wait3A_100] : memref<174080x256xf32, #tpu.memory_space<hbm>> -> memref<174080x256xf32, #tpu.memory_space<hbm>>
    tpu.wait_indirect_dma semaphore(%arg15 : memref<!tpu.dma_semaphore, #tpu.memory_space<semaphore_mem>>) src(%dma_wait3A_101 : memref<174080x256xf32, #tpu.memory_space<hbm>>) dst(%dma_wait3A_95 : memref<88x256xf32, #tpu.memory_space<vmem>>)
    %add3A_102 = arith.constant 32 : i32
    %add3A_103 = arith.addi %mul3A_2, %add3A_102 : i32
    %sub3A = arith.constant 1 : i32
    %sub3A_104 = arith.subi %add3A_103, %sub3A : i32
    "tpu.region"() ({
      %run_scoped3A = tpu.sem_alloc : memref<!tpu.dma_semaphore, #tpu.memory_space<semaphore_mem>>
      %dma_start3A_105 = arith.constant 0 : i32
      %dma_start3A_106 = arith.constant 0 : i32
      %dma_start3A_107 = tpu.memref_slice %arg5[%sub3A_104, %dma_start3A_105, %dma_start3A_106] : memref<1024x49x256xf32, #tpu.memory_space<hbm>> -> memref<1x8x256xf32, #tpu.memory_space<hbm>>
      %dma_start3A_108 = tpu.memref_squeeze %dma_start3A_107 : memref<1x8x256xf32, #tpu.memory_space<hbm>> -> memref<8x256xf32, #tpu.memory_space<hbm>>
      %dma_start3A_109 = arith.constant 0 : i32
      %dma_start3A_110 = arith.constant 0 : i32
      %dma_start3A_111 = tpu.memref_slice %arg5[%sub3A_104, %dma_start3A_109, %dma_start3A_110] : memref<1024x49x256xf32, #tpu.memory_space<hbm>> -> memref<1x8x256xf32, #tpu.memory_space<hbm>>
      %dma_start3A_112 = tpu.memref_squeeze %dma_start3A_111 : memref<1x8x256xf32, #tpu.memory_space<hbm>> -> memref<8x256xf32, #tpu.memory_space<hbm>>
      tpu.enqueue_dma source(%arg11 : memref<8x256xf32, #tpu.memory_space<vmem>>) target(%dma_start3A_112 : memref<8x256xf32, #tpu.memory_space<hbm>>) target_semaphore(%run_scoped3A : memref<!tpu.dma_semaphore, #tpu.memory_space<semaphore_mem>>)
      %dma_wait3A_113 = arith.constant 0 : i32
      %dma_wait3A_114 = arith.constant 0 : i32
      %dma_wait3A_115 = tpu.memref_slice %arg5[%sub3A_104, %dma_wait3A_113, %dma_wait3A_114] : memref<1024x49x256xf32, #tpu.memory_space<hbm>> -> memref<1x8x256xf32, #tpu.memory_space<hbm>>
      %dma_wait3A_116 = tpu.memref_squeeze %dma_wait3A_115 : memref<1x8x256xf32, #tpu.memory_space<hbm>> -> memref<8x256xf32, #tpu.memory_space<hbm>>
      %dma_wait3A_117 = arith.constant 0 : i32
      %dma_wait3A_118 = arith.constant 0 : i32
      %dma_wait3A_119 = tpu.memref_slice %arg5[%sub3A_104, %dma_wait3A_117, %dma_wait3A_118] : memref<1024x49x256xf32, #tpu.memory_space<hbm>> -> memref<1x8x256xf32, #tpu.memory_space<hbm>>
      %dma_wait3A_120 = tpu.memref_squeeze %dma_wait3A_119 : memref<1x8x256xf32, #tpu.memory_space<hbm>> -> memref<8x256xf32, #tpu.memory_space<hbm>>
      tpu.wait_dma2 semaphore(%run_scoped3A : memref<!tpu.dma_semaphore, #tpu.memory_space<semaphore_mem>>) src(%arg11 : memref<8x256xf32, #tpu.memory_space<vmem>>) dst(%dma_wait3A_120 : memref<8x256xf32, #tpu.memory_space<hbm>>)
      tpu.yield
    }) : () -> ()
    return
  }
}

</mosaic_0001>

<sc_bundles>
// kernel: kernel.3.cloned.1.call-start
scs
__scs_entry_jumppad:
0x0: {  	(pc) =	sbr.rel $0x88, $3  }
0x1: {  	(tag) =	ssettag $0x0;
	lr =	simm.s32 $0x1  }
0x2: {  	[smem:$0x3F9C] =	sst lr;
	_ =	strace $0xD0000000  }
0x3: {  	_ = 	snop  }
0x4: {  	_ = 	snop  }
0x5: {  	_ = 	snop  }
0x6: {  	_ = 	snop  }
0x7: {  	_ = 	snop  }
__scs_overlays_trampoline_lowered:
0x8: {  	[smem:$0x3FAB] =	sst s0  }
0x9: {  	[smem:$0x3FAC] =	sst s1  }
0xa: {  	[smem:$0x3FAD] =	sst s2  }
0xb: {  	[smem:$0x3FAE] =	sst s3  }
0xc: {  	[smem:$0x3FAF] =	sst s4  }
0xd: {  	[smem:$0x3FB0] =	sst s5  }
0xe: {  	[smem:$0x3FB1] =	sst s6  }
0xf: {  	[smem:$0x3FB2] =	sst s7  }
0x10: {  	[smem:$0x3FB3] =	sst s8  }
0x11: {  	[smem:$0x3FB4] =	sst s9;
	s0 =	simm.s32 @!p0 $0x0  }
0x12: {  	s1 =	sld [smem:$0x3F9A];
	s0 =	simm.s32 @p0 $0x1  }
0x13: {  	[smem:$0x3FB5] =	sst s0;
	s0 =	simm.s32 @!p1 $0x0  }
0x14: {  	s2 =	sld [smem:$0x3F99];
	s0 =	simm.s32 @p1 $0x1  }
0x15: {  	[smem:$0x3FB6] =	sst s0;
	s0 =	simm.s32 @!p2 $0x0  }
0x16: {  	s3 =	sld [smem:$0x3FDB];
	s0 =	simm.s32 @p2 $0x1  }
0x17: {  	s4 =	simm.s32 $0x1BF5;
	[smem:$0x3FB8] =	sst s0  }
0x18: {  	s0 =	sld [smem:$0x3F9B];
	_ =	swait.ge [sflag:s4], $0x0  }
0x19: {  	s7 =	sld [smem:$0x3F9C]  }
0x1a: {  	s8 =	sadd.s32 $0xFFFFE003, lr  }
0x1b: {  	s9 =	sadd.s32 $0xFFFFFEF7, lr;
	s5 =	simm.s32 $0xFFFFFFFF;
	p2 =	slt.u32 s8, $0xFFFFF086  }
0x1c: {  	p1 =	slt.u32 s9, $0xF7A;
	s5 =	simm.s32 @!p2 $0x0  }
0x1d: {  	s5 =	simm.s32 @p1 $0x1;
	p0 =	seq.s32 s7, s2  }
0x1e: {  	s7 =	smul.u32 @!p0 $0xF7A, s2;
	p2 =	seq.s32 @!p0 s5, $0x0  }
0x1f: {  	s9 =	smul.u32 $0xF7A, s1;
	s8 =	simm.s32 @!p0 $0x1BF5;
	p2 =	por !p2, p0  }
0x20: {  	[sflag:s8] =	ssyncset.s32 @!p0 $0xFFFFF086;
	s6 =	sadd.s32 @!p0 s3, s7;
	s7 =	simm.s32 @!p0 $0x108  }
0x21: {  	s3 =	sadd.s32 s3, s9;
	s6 =	sadd.s32 @!p0 $0x88, s6;
	s7 =	simm.s32 @p2 $0x1082  }
0x22: {  	[simem:s7], [sflag:s8] =	dma.local @!p0 [hbm:s6], $0xF7A  }
0x23: {  	s9 =	sor.u32 $0xD0000000, s2;
	s6 =	simm.s32 $0x108;
	_ =	swait.ge @!p0 [sflag:s8], $0x0  }
0x24: {  	s3 =	sadd.s32 $0x88, s3;
	s6 =	simm.s32 @!p1 $0x1082;
	[sflag:s4] =	ssyncset.s32 $0xFFFFF086  }
0x25: {  	[simem:s6], [sflag:s4] =	dma.local [hbm:s3], $0xF7A  }
0x26: {  	[smem:$0x3F9C] =	sst s1;
	(tag) =	ssettag s2;
	_ =	strace s9  }
0x27: {  	s1 =	sld [smem:$0x3FAC]  }
0x28: {  	s2 =	sld [smem:$0x3FAD]  }
0x29: {  	s4 =	sld [smem:$0x3FAF]  }
0x2a: {  	p0 =	seq.s32 s5, $0x0;
	s5 =	sld [smem:$0x3FB0]  }
0x2b: {  	s6 =	sld [smem:$0x3FB1]  }
0x2c: {  	s7 =	sld [smem:$0x3FB2]  }
0x2d: {  	s3 =	simm.s32 $0x108;
	s8 =	sld [smem:$0x3FB3]  }
0x2e: {  	s3 =	simm.s32 @!p0 $0x1082;
	s9 =	sld [smem:$0x3FB4]  }
0x2f: {  	lr =	sadd.s32 s0, s3;
	s0 =	sld [smem:$0x3FAB]  }
0x30: {  	s3 =	sld [smem:$0x3FAE]  }
0x31: {  	[smem:$0x3FB7] =	sst s10  }
0x32: {  	s10 =	sld [smem:$0x3FB5];
	_ =	sdelay $0x3  }
0x33: {  	p0 =	seq.s32 s10, $0x1;
	s10 =	sld [smem:$0x3FB7];
	_ =	sdelay $0x3  }
0x34: {  	[smem:$0x3FB7] =	sst s10  }
0x35: {  	s10 =	sld [smem:$0x3FB6];
	_ =	sdelay $0x3  }
0x36: {  	p1 =	seq.s32 s10, $0x1;
	s10 =	sld [smem:$0x3FB7];
	_ =	sdelay $0x3  }
0x37: {  	[smem:$0x3FB7] =	sst s10  }
0x38: {  	s10 =	sld [smem:$0x3FB8]  }
0x39: {  	_ = 	snop;
	(pc) =	sbr.ind lr, $3  }
0x3a: {  	_ = 	snop  }
0x3b: {  	_ = 	snop  }
0x3c: {  	p2 =	seq.s32 s10, $0x1;
	s10 =	sld [smem:$0x3FB7]  }
0x3d: {  	_ =	shalt  }
0x3e: {  	_ =	shalt  }
0x3f: {  	_ =	shalt  }
0x40: {  	_ =	shalt  }
0x41: {  	_ =	shalt  }
0x42: {  	_ =	shalt  }
0x43: {  	_ =	shalt  }
0x44: {  	_ =	shalt  }
0x45: {  	_ =	shalt  }
0x46: {  	_ =	shalt  }
0x47: {  	_ =	shalt  }
0x48: {  	_ =	shalt  }
0x49: {  	_ =	shalt  }
0x4a: {  	_ =	shalt  }
0x4b: {  	_ =	shalt  }
0x4c: {  	_ =	shalt  }
0x4d: {  	_ =	shalt  }
0x4e: {  	_ =	shalt  }
0x4f: {  	_ =	shalt  }
0x50: {  	_ =	shalt  }
0x51: {  	_ =	shalt  }
0x52: {  	_ =	shalt  }
0x53: {  	_ =	shalt  }
0x54: {  	_ =	shalt  }
0x55: {  	_ =	shalt  }
0x56: {  	_ =	shalt  }
0x57: {  	_ =	shalt  }
0x58: {  	_ =	shalt  }
0x59: {  	_ =	shalt  }
0x5a: {  	_ =	shalt  }
0x5b: {  	_ =	shalt  }
0x5c: {  	_ =	shalt  }
0x5d: {  	_ =	shalt  }
0x5e: {  	_ =	shalt  }
0x5f: {  	_ =	shalt  }
0x60: {  	_ =	shalt  }
0x61: {  	_ =	shalt  }
0x62: {  	_ =	shalt  }
0x63: {  	_ =	shalt  }
0x64: {  	_ =	shalt  }
0x65: {  	_ =	shalt  }
0x66: {  	_ =	shalt  }
0x67: {  	_ =	shalt  }
0x68: {  	_ =	shalt  }
0x69: {  	_ =	shalt  }
0x6a: {  	_ =	shalt  }
0x6b: {  	_ =	shalt  }
0x6c: {  	_ =	shalt  }
0x6d: {  	_ =	shalt  }
0x6e: {  	_ =	shalt  }
0x6f: {  	_ =	shalt  }
0x70: {  	_ =	shalt  }
0x71: {  	_ =	shalt  }
0x72: {  	_ =	shalt  }
0x73: {  	_ =	shalt  }
0x74: {  	_ =	shalt  }
0x75: {  	_ =	shalt  }
0x76: {  	_ =	shalt  }
0x77: {  	_ =	shalt  }
0x78: {  	_ =	shalt  }
0x79: {  	_ =	shalt  }
0x7a: {  	_ =	shalt  }
0x7b: {  	_ =	shalt  }
0x7c: {  	_ =	shalt  }
0x7d: {  	_ =	shalt  }
0x7e: {  	_ =	shalt  }
0x7f: {  	_ =	shalt  }
0x80: {  	_ =	shalt  }
0x81: {  	_ =	shalt  }
0x82: {  	_ =	shalt  }
0x83: {  	_ =	shalt  }
0x84: {  	_ =	shalt  }
0x85: {  	_ =	shalt  }
0x86: {  	_ =	shalt  }
0x87: {  	_ =	shalt  }
.Lfunc_end0:
.L_simem_size_0:
called_computation.1_lowered:
.L_overlay_start_0:
0x88: {  	s2 =	sld [smem:$0x3FD9]  }
0x89: {  	s3 =	sld [smem:$0x3FFE];
	_ =	sdelay $0x1  }
0x8a: {  	s1 =	srdreg.scid  }
0x8b: {  	s0 =	sand.u32 $0x1, s1  }
0x8c: {  	s17 =	sshll.u32 s0, $0xA;
	s2 =	sadd.s32 s3, s2  }
0x8d: {  	s2 =	sadd.s32 s2, s17  }
0x8e: {  	[smem:$0x3FC3] =	sst s2  }
0x8f: {  	_ = 	snop  }
0x90: {  	s2 =	sld [smem:$0x3FD0];
	(tm) =	ssettm $0x1  }
0x91: {  	s18 =	sld [smem:$0x3FFB];
	_ =	sdelay $0x3  }
0x92: {  	_ =	strace s18  }
0x93: {  	s3 =	sld [smem:$0x3FFC];
	_ =	sdelay $0x3  }
0x94: {  	_ =	strace s3  }
0x95: {  	s3 =	sld [smem:$0x3FFD];
	_ =	sdelay $0x3  }
0x96: {  	_ =	strace s3  }
0x97: {  	_ =	strace $0x8FFFFFFF  }
0x98: {  	s19 =	sld [smem:$0x3FDB];
	_ =	sdelay $0x1  }
0x99: {  	s4 =	simm.s32 $_scs_section_size  }
0x9a: {  	s5 =	simm.s32 $_size__tile_overlayer_lowered;
	s6 =	simm.s32 $_tile_overlayer_lowered  }
0x9b: {  	s22 =	simm.s32 $0x1BFF;
	s21 =	sshll.u32 s6, $0x1;
	s3 =	sadd.s32 s4, s19  }
0x9c: {  	s7 =	simm.s32 $0x0;
	s20 =	sshll.u32 s5, $0x1;
	s5 =	sadd.s32 s21, s3  }
0x9d: {  	[timem:s7], [sflag:s22] =	dma.local [hbm:s5], s20  }
0x9e: {  	_ =	swait.ge [sflag:s22], s20  }
0x9f: {  	s4 =	ssub.s32 $0x0, s20;
	[sflag:s22] =	ssyncset.done $0x0  }
0xa0: {  	[sflag:s22] =	ssyncadd.s32 s4;
	_ =	sdelay $0x1  }
0xa1: {  	s23 =	simm.s32 $0x1B8B  }
0xa2: {  	_ =	swait.ge [sflag:s23], $0x1  }
0xa3: {  	[sflag:s23] =	ssyncset.done $0x0  }
0xa4: {  	s25 =	simm.s32 $0x1B8E;
	s24 =	sld [smem:$0x3FFE];
	[sflag:s23] =	ssyncadd.s32 $0xFFFFFFFF  }
0xa5: {  	s26 =	simm.s32 $execute0_lowered;
	[smem:$0x3FD2] =	sst s25  }
0xa6: {  	s5 =	sshll.u32 s26, $0x1;
	_ =	strace $0x80000046;
	[dreg:$0x1] =	wrdreg $0xFFFFFFFF  }
0xa7: {  	s28 =	simm.s32 $_size_execute0_lowered;
	s3 =	sadd.s32 s3, s5;
	[dreg:$0x0] =	wrdreg $0x0  }
0xa8: {  	s5 =	sshll.u32 s28, $0x1;
	[dreg:$0x2] =	wrdreg s3  }
0xa9: {  	[dreg:$0x3] =	wrdreg s5  }
0xaa: {  	[dreg:$0x4] =	wrdreg $0xC0  }
0xab: {  	_ =	task [dreg:s7], $0x5FFFF  }
0xac: {  	[dreg:$0x1] =	wrdreg $0xFFFFFFFF  }
0xad: {  	[dreg:$0x0] =	wrdreg $0x60  }
0xae: {  	[dreg:$0x2] =	wrdreg s24  }
0xaf: {  	[dreg:$0x3] =	wrdreg s2  }
0xb0: {  	[dreg:$0x4] =	wrdreg $0x9  }
0xb1: {  	_ =	task.clear_ibuf [dreg:s7], $0x5FFFF;
	_ =	strace $0x90000046  }
0xb2: {  	s29 =	simm.s32 $0x9;
	_ =	strace $0x80000048  }
0xb3: {  	_ =	swait.ge [sflag:s29], $0x1  }
0xb4: {  	[sflag:s29] =	ssyncadd.s32 $0xFFFFFFFF  }
0xb5: {  	_ =	strace $0x90000048  }
0xb6: {  	_ =	sfence  }
0xb7: {  	s30 =	sld [smem:$0x0];
	_ =	sdelay $0x2  }
0xb8: {  	s31 =	sshll.u32 s1, $0xD;
	s1 =	sshrl.u32 s1, $0x2  }
0xb9: {  	s3 =	sand.u32 $0x4000, s31;
	s1 =	sadd.s32 s1, s30  }
0xba: {  	s0 =	sor.u32 s3, s0;
	s1 =	sshll.u32 s1, $0x11  }
0xbb: {  	s0 =	sor.u32 s1, s0  }
0xbc: {  	s0 =	sadd.s32 $0x8F2B, s0  }
0xbd: {  	[sflag:s0] =	ssyncadd.remote.s32 $0x1  }
0xbe: {  	_ =	sfence.sel $0xFFFF  }
0xbf: {  	[dreg:$0x0] =	wrdreg $0xFFFFFFFF;
	(pc) =	sbr.abs _section_cstart, $3  }
0xc0: {  	[dreg:$0x1] =	wrdreg $0xFFFFFFFF  }
0xc1: {  	_ =	task.clear_ibuf [dreg:s7], $0x2FFFF;
	_ =	strace $0x9FFFFFFF  }
0xc2: {  	(tm) =	ssettm $0x7FFFFFFF  }
0xc3: {  	_ =	shalt  }
tec
execute0_lowered:
.L_overlay_start_1:
0x0: {  	(tag) =	ssettag $0x1  }
0x1: {  	s0 =	srdreg.scid;
	s1 =	rddreg [dreg:$0x0]  }
0x2: {  	s2 =	stileid.u32;
	s4 =	rddreg [dreg:$0x1]  }
0x3: {  	s30 =	simm.s32 $0x1;
	s31 =	simm.s32 $0x3;
	s11 =	simm.s32 $0x10000  }
0x4: {  	s12 =	simm.s32 $0x10800;
	s13 =	simm.s32 $0x11000;
	s14 =	simm.s32 $0x11800  }
0x5: {  	s15 =	simm.s32 $0x12000;
	s16 =	simm.s32 $0x12800;
	s17 =	simm.s32 $0x13000  }
0x6: {  	s18 =	simm.s32 $0x13800;
	s19 =	simm.s32 $0x14000;
	s20 =	simm.s32 $0x14800  }
0x7: {  	s21 =	simm.s32 $0x15000;
	s22 =	simm.s32 $0x17000;
	s23 =	simm.s32 $0x17800  }
0x8: {  	s24 =	simm.s32 $0x18000;
	s25 =	simm.s32 $0x18800;
	s26 =	simm.s32 $0x19000  }
0x9: {  	s28 =	simm.s32 $0x19800;
	s29 =	simm.s32 $0x1A000;
	s8 =	simm.s32 $0x1B800  }
0xa: {  	s0 =	sand.u32 $0x1, s0;
	s3 =	sshll.u32 s2, $0x6;
	s2 =	simm.s32 $0x0  }
0xb: {  	s9 =	simm.s32 $0x1C000;
	s5 =	sshll.u32 s0, $0x5;
	[smem:$0x7FF] =	sst s2  }
0xc: {  	s0 =	ssub.s32 $0x2, s0;
	s5 =	sor.u32 s5, s3;
	_ =	strace $0x80000047  }
0xd: {  	s3 =	sadd.s32 $0x9200, s1;
	s7 =	sshrl.u32 s0, $0x1;
	s6 =	smul.u32 $0x3800, s5  }
0xe: {  	s0 =	ssub.s32 s0, s7;
	s5 =	sshll.u32 s5, $0x5;
	s7 =	simm.s32 $0x1B000  }
0xf: {  	s4 =	sadd.s32 s4, s5;
	s0 =	smax.u32 s0, $0x1;
	s6 =	sshrl.u32 s6, $0x3  }
0x10: {  	v2 =	vlaneseq.u32;
	s5 =	simm.s32 $0x5;
	[dreg:$0x3] =	wrdreg s4;
	s1 =	sadd.s32 s1, s6  }
0x11: {  	vm0 =	vmmov $0xffff;
	v1 =	vshrl.u32 v2, $0x3;
	[dreg:$0x5] =	wrdreg s0;
	s0 =	simm.s32 $0x4;
	s1 =	sadd.s32 $0x566B00, s1  }
0x12: {  	v0 =	vand.u32 $0x7, v2;
	v2 =	vor.u32 $0x8, v2;
	v1 =	vmul.u32 $0x8, v1;
	s6 =	simm.s32 $0x0;
	[dreg:$0x4] =	wrdreg s1;
	s1 =	simm.s32 $0x2  }
.LBB2_1:
0x13: {  	[dreg:$0x6] =	wrdreg s6  }
0x14: {  	s4 =	rddreg [dreg:$0x3]  }
0x15: {  	[tilespmem:s2], [sflag:$0x5] =	stream.linear.gather [hbm4b:s4+s2], $0x2000, $0x38;
	[tilespmem:$0x1E800] =	vst v63  }
0x16: {  	_ =	swait.ge [sflag:s5], $0x2000  }
0x17: {  	[sflag:s5] =	ssyncset.done $0x0  }
0x18: {  	[sflag:s5] =	ssyncadd.s32 $0xFFFFE000  }
0x19: {  	v3 =	vld [tilespmem:$0x0];
	_ =	sdelay $0x4  }
0x1a: {  	v4 =	vshll.u32 v3, $0x1  }
0x1b: {  	v3 =	vand.u32 $0x7, v3;
	v4 =	vand.u32 $0xFFFFFFF0, v4  }
0x1c: {  	v3 =	vor.u32 v3, v4  }
0x1d: {  	v4 =	vperm.xlane v3, v0;
	_ =	sdelay $0x1  }
0x1e: {  	v3 =	vperm.xlane v3, v2;
	v4 =	vadd.s32 v1, v4;
	_ =	sdelay $0x1  }
0x1f: {  	v3 =	vadd.s32 v1, v3;
	_ =	sdelay $0x1  }
0x20: {  	s10 =	simm.s32 $0x2000  }
0x21: {  	[tilespmem:s10], [sflag:$0x1] =	stream.indirect_vreg.gather [hbm4b:s3+s2], $0x80, v4, vm0, $0xb8;
	[tilespmem:$0x1E800] =	vst v63  }
0x22: {  	s5 =	simm.s32 $0x2800  }
0x23: {  	[tilespmem:s5], [sflag:$0x1] =	stream.indirect_vreg.gather [hbm4b:s3+s2], $0x80, v3, vm0, $0xb8;
	[tilespmem:$0x1E800] =	vst v63  }
0x24: {  	v3 =	vld [tilespmem:$0x10];
	_ =	sdelay $0x4  }
0x25: {  	v39 =	vshll.u32 v3, $0x1  }
0x26: {  	v3 =	vand.u32 $0x7, v3;
	v4 =	vand.u32 $0xFFFFFFF0, v39  }
0x27: {  	v3 =	vor.u32 v3, v4  }
0x28: {  	v4 =	vperm.xlane v3, v0;
	_ =	sdelay $0x1  }
0x29: {  	v3 =	vperm.xlane v3, v2;
	v4 =	vadd.s32 v1, v4;
	_ =	sdelay $0x1  }
0x2a: {  	v3 =	vadd.s32 v1, v3;
	_ =	sdelay $0x1  }
0x2b: {  	s6 =	simm.s32 $0x3000  }
0x2c: {  	[tilespmem:s6], [sflag:$0x1] =	stream.indirect_vreg.gather [hbm4b:s3+s2], $0x80, v4, vm0, $0xb8;
	[tilespmem:$0x1E800] =	vst v63  }
0x2d: {  	s10 =	simm.s32 $0x3800  }
0x2e: {  	[tilespmem:s10], [sflag:$0x1] =	stream.indirect_vreg.gather [hbm4b:s3+s2], $0x80, v3, vm0, $0xb8;
	[tilespmem:$0x1E800] =	vst v63  }
0x2f: {  	v3 =	vld [tilespmem:$0x20];
	_ =	sdelay $0x4  }
0x30: {  	v40 =	vshll.u32 v3, $0x1  }
0x31: {  	v3 =	vand.u32 $0x7, v3;
	v4 =	vand.u32 $0xFFFFFFF0, v40  }
0x32: {  	v3 =	vor.u32 v3, v4  }
0x33: {  	v4 =	vperm.xlane v3, v0;
	_ =	sdelay $0x1  }
0x34: {  	v3 =	vperm.xlane v3, v2;
	v4 =	vadd.s32 v1, v4;
	_ =	sdelay $0x1  }
0x35: {  	v3 =	vadd.s32 v1, v3;
	_ =	sdelay $0x1  }
0x36: {  	s5 =	simm.s32 $0x4000  }
0x37: {  	[tilespmem:s5], [sflag:$0x1] =	stream.indirect_vreg.gather [hbm4b:s3+s2], $0x80, v4, vm0, $0xb8;
	[tilespmem:$0x1E800] =	vst v63  }
0x38: {  	s6 =	simm.s32 $0x4800  }
0x39: {  	[tilespmem:s6], [sflag:$0x1] =	stream.indirect_vreg.gather [hbm4b:s3+s2], $0x80, v3, vm0, $0xb8;
	[tilespmem:$0x1E800] =	vst v63  }
0x3a: {  	v3 =	vld [tilespmem:$0x30];
	_ =	sdelay $0x4  }
0x3b: {  	v41 =	vshll.u32 v3, $0x1  }
0x3c: {  	v3 =	vand.u32 $0x7, v3;
	v4 =	vand.u32 $0xFFFFFFF0, v41  }
0x3d: {  	v3 =	vor.u32 v3, v4  }
0x3e: {  	v4 =	vperm.xlane v3, v0;
	_ =	sdelay $0x1  }
0x3f: {  	v3 =	vperm.xlane v3, v2;
	v4 =	vadd.s32 v1, v4;
	_ =	sdelay $0x1  }
0x40: {  	v3 =	vadd.s32 v1, v3;
	_ =	sdelay $0x1  }
0x41: {  	s10 =	simm.s32 $0x5000  }
0x42: {  	[tilespmem:s10], [sflag:$0x1] =	stream.indirect_vreg.gather [hbm4b:s3+s2], $0x80, v4, vm0, $0xb8;
	[tilespmem:$0x1E800] =	vst v63  }
0x43: {  	s5 =	simm.s32 $0x5800  }
0x44: {  	[tilespmem:s5], [sflag:$0x1] =	stream.indirect_vreg.gather [hbm4b:s3+s2], $0x80, v3, vm0, $0xb8;
	[tilespmem:$0x1E800] =	vst v63  }
0x45: {  	v3 =	vld [tilespmem:$0x40];
	_ =	sdelay $0x4  }
0x46: {  	v42 =	vshll.u32 v3, $0x1  }
0x47: {  	v3 =	vand.u32 $0x7, v3;
	v4 =	vand.u32 $0xFFFFFFF0, v42  }
0x48: {  	v3 =	vor.u32 v3, v4  }
0x49: {  	v4 =	vperm.xlane v3, v0;
	_ =	sdelay $0x1  }
0x4a: {  	v3 =	vperm.xlane v3, v2;
	v4 =	vadd.s32 v1, v4;
	_ =	sdelay $0x1  }
0x4b: {  	v3 =	vadd.s32 v1, v3;
	_ =	sdelay $0x1  }
0x4c: {  	s6 =	simm.s32 $0x6000  }
0x4d: {  	[tilespmem:s6], [sflag:$0x1] =	stream.indirect_vreg.gather [hbm4b:s3+s2], $0x80, v4, vm0, $0xb8;
	[tilespmem:$0x1E800] =	vst v63  }
0x4e: {  	s10 =	simm.s32 $0x6800  }
0x4f: {  	[tilespmem:s10], [sflag:$0x1] =	stream.indirect_vreg.gather [hbm4b:s3+s2], $0x80, v3, vm0, $0xb8;
	[tilespmem:$0x1E800] =	vst v63  }
0x50: {  	v3 =	vld [tilespmem:$0x50];
	_ =	sdelay $0x4  }
0x51: {  	v43 =	vshll.u32 v3, $0x1  }
0x52: {  	v3 =	vand.u32 $0x7, v3;
	v4 =	vand.u32 $0xFFFFFFF0, v43  }
0x53: {  	v3 =	vor.u32 v3, v4  }
0x54: {  	v4 =	vperm.xlane v3, v0;
	_ =	sdelay $0x1  }
0x55: {  	v3 =	vperm.xlane v3, v2;
	v4 =	vadd.s32 v1, v4;
	_ =	sdelay $0x1  }
0x56: {  	v3 =	vadd.s32 v1, v3;
	_ =	sdelay $0x1  }
0x57: {  	s5 =	simm.s32 $0x7000  }
0x58: {  	[tilespmem:s5], [sflag:$0x1] =	stream.indirect_vreg.gather [hbm4b:s3+s2], $0x80, v4, vm0, $0xb8;
	[tilespmem:$0x1E800] =	vst v63  }
0x59: {  	s6 =	simm.s32 $0x7800  }
0x5a: {  	[tilespmem:s6], [sflag:$0x1] =	stream.indirect_vreg.gather [hbm4b:s3+s2], $0x80, v3, vm0, $0xb8;
	[tilespmem:$0x1E800] =	vst v63  }
0x5b: {  	v3 =	vld [tilespmem:$0x60];
	_ =	sdelay $0x4  }
0x5c: {  	v44 =	vshll.u32 v3, $0x1  }
0x5d: {  	v3 =	vand.u32 $0x7, v3;
	v4 =	vand.u32 $0xFFFFFFF0, v44  }
0x5e: {  	v3 =	vor.u32 v3, v4  }
0x5f: {  	v4 =	vperm.xlane v3, v0;
	_ =	sdelay $0x1  }
0x60: {  	v3 =	vperm.xlane v3, v2;
	v4 =	vadd.s32 v1, v4;
	_ =	sdelay $0x1  }
0x61: {  	v3 =	vadd.s32 v1, v3;
	_ =	sdelay $0x1  }
0x62: {  	s10 =	simm.s32 $0x8000  }
0x63: {  	[tilespmem:s10], [sflag:$0x1] =	stream.indirect_vreg.gather [hbm4b:s3+s2], $0x80, v4, vm0, $0xb8;
	[tilespmem:$0x1E800] =	vst v63  }
0x64: {  	s5 =	simm.s32 $0x8800  }
0x65: {  	[tilespmem:s5], [sflag:$0x1] =	stream.indirect_vreg.gather [hbm4b:s3+s2], $0x80, v3, vm0, $0xb8;
	[tilespmem:$0x1E800] =	vst v63  }
0x66: {  	v3 =	vld [tilespmem:$0x100];
	_ =	sdelay $0x4  }
0x67: {  	v45 =	vshll.u32 v3, $0x1  }
0x68: {  	v3 =	vand.u32 $0x7, v3;
	v4 =	vand.u32 $0xFFFFFFF0, v45  }
0x69: {  	v3 =	vor.u32 v3, v4  }
0x6a: {  	v4 =	vperm.xlane v3, v0;
	_ =	sdelay $0x1  }
0x6b: {  	v3 =	vperm.xlane v3, v2;
	v4 =	vadd.s32 v1, v4;
	_ =	sdelay $0x1  }
0x6c: {  	v3 =	vadd.s32 v1, v3;
	_ =	sdelay $0x1  }
0x6d: {  	s6 =	simm.s32 $0x9000  }
0x6e: {  	[tilespmem:s6], [sflag:$0x2] =	stream.indirect_vreg.gather [hbm4b:s3+s2], $0x80, v4, vm0, $0xb8;
	[tilespmem:$0x1E800] =	vst v63  }
0x6f: {  	s10 =	simm.s32 $0x9800  }
0x70: {  	[tilespmem:s10], [sflag:$0x2] =	stream.indirect_vreg.gather [hbm4b:s3+s2], $0x80, v3, vm0, $0xb8;
	[tilespmem:$0x1E800] =	vst v63  }
0x71: {  	v3 =	vld [tilespmem:$0x110];
	_ =	sdelay $0x4  }
0x72: {  	v46 =	vshll.u32 v3, $0x1  }
0x73: {  	v3 =	vand.u32 $0x7, v3;
	v4 =	vand.u32 $0xFFFFFFF0, v46  }
0x74: {  	v3 =	vor.u32 v3, v4  }
0x75: {  	v4 =	vperm.xlane v3, v0;
	_ =	sdelay $0x1  }
0x76: {  	v3 =	vperm.xlane v3, v2;
	v4 =	vadd.s32 v1, v4;
	_ =	sdelay $0x1  }
0x77: {  	v3 =	vadd.s32 v1, v3;
	_ =	sdelay $0x1  }
0x78: {  	s5 =	simm.s32 $0xA000  }
0x79: {  	[tilespmem:s5], [sflag:$0x2] =	stream.indirect_vreg.gather [hbm4b:s3+s2], $0x80, v4, vm0, $0xb8;
	[tilespmem:$0x1E800] =	vst v63  }
0x7a: {  	s6 =	simm.s32 $0xA800  }
0x7b: {  	[tilespmem:s6], [sflag:$0x2] =	stream.indirect_vreg.gather [hbm4b:s3+s2], $0x80, v3, vm0, $0xb8;
	[tilespmem:$0x1E800] =	vst v63  }
0x7c: {  	v3 =	vld [tilespmem:$0x120];
	_ =	sdelay $0x4  }
0x7d: {  	v47 =	vshll.u32 v3, $0x1  }
0x7e: {  	v3 =	vand.u32 $0x7, v3;
	v4 =	vand.u32 $0xFFFFFFF0, v47  }
0x7f: {  	v3 =	vor.u32 v3, v4  }
0x80: {  	v4 =	vperm.xlane v3, v0;
	_ =	sdelay $0x1  }
0x81: {  	v3 =	vperm.xlane v3, v2;
	v4 =	vadd.s32 v1, v4;
	_ =	sdelay $0x1  }
0x82: {  	v3 =	vadd.s32 v1, v3;
	_ =	sdelay $0x1  }
0x83: {  	s10 =	simm.s32 $0xB000  }
0x84: {  	[tilespmem:s10], [sflag:$0x2] =	stream.indirect_vreg.gather [hbm4b:s3+s2], $0x80, v4, vm0, $0xb8;
	[tilespmem:$0x1E800] =	vst v63  }
0x85: {  	s5 =	simm.s32 $0xB800  }
0x86: {  	[tilespmem:s5], [sflag:$0x2] =	stream.indirect_vreg.gather [hbm4b:s3+s2], $0x80, v3, vm0, $0xb8;
	[tilespmem:$0x1E800] =	vst v63  }
0x87: {  	v3 =	vld [tilespmem:$0x130];
	_ =	sdelay $0x4  }
0x88: {  	v48 =	vshll.u32 v3, $0x1  }
0x89: {  	v3 =	vand.u32 $0x7, v3;
	v4 =	vand.u32 $0xFFFFFFF0, v48  }
0x8a: {  	v3 =	vor.u32 v3, v4  }
0x8b: {  	v4 =	vperm.xlane v3, v0;
	_ =	sdelay $0x1  }
0x8c: {  	v3 =	vperm.xlane v3, v2;
	v4 =	vadd.s32 v1, v4;
	_ =	sdelay $0x1  }
0x8d: {  	v3 =	vadd.s32 v1, v3;
	_ =	sdelay $0x1  }
0x8e: {  	s6 =	simm.s32 $0xC000  }
0x8f: {  	[tilespmem:s6], [sflag:$0x2] =	stream.indirect_vreg.gather [hbm4b:s3+s2], $0x80, v4, vm0, $0xb8;
	[tilespmem:$0x1E800] =	vst v63  }
0x90: {  	s10 =	simm.s32 $0xC800  }
0x91: {  	[tilespmem:s10], [sflag:$0x2] =	stream.indirect_vreg.gather [hbm4b:s3+s2], $0x80, v3, vm0, $0xb8;
	[tilespmem:$0x1E800] =	vst v63  }
0x92: {  	v3 =	vld [tilespmem:$0x140];
	_ =	sdelay $0x4  }
0x93: {  	v49 =	vshll.u32 v3, $0x1  }
0x94: {  	v3 =	vand.u32 $0x7, v3;
	v4 =	vand.u32 $0xFFFFFFF0, v49  }
0x95: {  	v3 =	vor.u32 v3, v4  }
0x96: {  	v4 =	vperm.xlane v3, v0;
	_ =	sdelay $0x1  }
0x97: {  	v3 =	vperm.xlane v3, v2;
	v4 =	vadd.s32 v1, v4;
	_ =	sdelay $0x1  }
0x98: {  	v3 =	vadd.s32 v1, v3;
	_ =	sdelay $0x1  }
0x99: {  	s5 =	simm.s32 $0xD000  }
0x9a: {  	[tilespmem:s5], [sflag:$0x2] =	stream.indirect_vreg.gather [hbm4b:s3+s2], $0x80, v4, vm0, $0xb8;
	[tilespmem:$0x1E800] =	vst v63  }
0x9b: {  	s6 =	simm.s32 $0xD800  }
0x9c: {  	[tilespmem:s6], [sflag:$0x2] =	stream.indirect_vreg.gather [hbm4b:s3+s2], $0x80, v3, vm0, $0xb8;
	[tilespmem:$0x1E800] =	vst v63  }
0x9d: {  	v3 =	vld [tilespmem:$0x150];
	_ =	sdelay $0x4  }
0x9e: {  	v50 =	vshll.u32 v3, $0x1  }
0x9f: {  	v3 =	vand.u32 $0x7, v3;
	v4 =	vand.u32 $0xFFFFFFF0, v50  }
0xa0: {  	v3 =	vor.u32 v3, v4  }
0xa1: {  	v4 =	vperm.xlane v3, v0;
	_ =	sdelay $0x1  }
0xa2: {  	v3 =	vperm.xlane v3, v2;
	v4 =	vadd.s32 v1, v4;
	_ =	sdelay $0x1  }
0xa3: {  	v3 =	vadd.s32 v1, v3;
	_ =	sdelay $0x1  }
0xa4: {  	s10 =	simm.s32 $0xE000  }
0xa5: {  	[tilespmem:s10], [sflag:$0x2] =	stream.indirect_vreg.gather [hbm4b:s3+s2], $0x80, v4, vm0, $0xb8;
	[tilespmem:$0x1E800] =	vst v63  }
0xa6: {  	s5 =	simm.s32 $0xE800  }
0xa7: {  	[tilespmem:s5], [sflag:$0x2] =	stream.indirect_vreg.gather [hbm4b:s3+s2], $0x80, v3, vm0, $0xb8;
	[tilespmem:$0x1E800] =	vst v63  }
0xa8: {  	v3 =	vld [tilespmem:$0x160];
	_ =	sdelay $0x4  }
0xa9: {  	v51 =	vshll.u32 v3, $0x1  }
0xaa: {  	v3 =	vand.u32 $0x7, v3;
	v4 =	vand.u32 $0xFFFFFFF0, v51  }
0xab: {  	v3 =	vor.u32 v3, v4  }
0xac: {  	v4 =	vperm.xlane v3, v0;
	_ =	sdelay $0x1  }
0xad: {  	v3 =	vperm.xlane v3, v2;
	v4 =	vadd.s32 v1, v4;
	_ =	sdelay $0x1  }
0xae: {  	v3 =	vadd.s32 v1, v3;
	_ =	sdelay $0x1  }
0xaf: {  	s6 =	simm.s32 $0xF000  }
0xb0: {  	[tilespmem:s6], [sflag:$0x2] =	stream.indirect_vreg.gather [hbm4b:s3+s2], $0x80, v4, vm0, $0xb8;
	[tilespmem:$0x1E800] =	vst v63  }
0xb1: {  	s10 =	simm.s32 $0xF800  }
0xb2: {  	[tilespmem:s10], [sflag:$0x2] =	stream.indirect_vreg.gather [hbm4b:s3+s2], $0x80, v3, vm0, $0xb8;
	[tilespmem:$0x1E800] =	vst v63  }
0xb3: {  	v3 =	vld [tilespmem:$0x80];
	_ =	sdelay $0x4  }
0xb4: {  	v52 =	vshll.u32 v3, $0x1  }
0xb5: {  	v3 =	vand.u32 $0x7, v3;
	v4 =	vand.u32 $0xFFFFFFF0, v52  }
0xb6: {  	v3 =	vor.u32 v3, v4  }
0xb7: {  	v4 =	vperm.xlane v3, v0;
	_ =	sdelay $0x1  }
0xb8: {  	v3 =	vperm.xlane v3, v2;
	v4 =	vadd.s32 v1, v4;
	_ =	sdelay $0x1  }
0xb9: {  	v3 =	vadd.s32 v1, v3;
	_ =	sdelay $0x2  }
0xba: {  	[tilespmem:s11], [sflag:$0x3] =	stream.indirect_vreg.gather [hbm4b:s3+s2], $0x80, v4, vm0, $0xb8;
	[tilespmem:$0x1E800] =	vst v63  }
0xbb: {  	_ = 	snop  }
0xbc: {  	[tilespmem:s12], [sflag:$0x3] =	stream.indirect_vreg.gather [hbm4b:s3+s2], $0x80, v3, vm0, $0xb8;
	[tilespmem:$0x1E800] =	vst v63  }
0xbd: {  	v3 =	vld [tilespmem:$0x90];
	_ =	sdelay $0x4  }
0xbe: {  	v53 =	vshll.u32 v3, $0x1  }
0xbf: {  	v3 =	vand.u32 $0x7, v3;
	v4 =	vand.u32 $0xFFFFFFF0, v53  }
0xc0: {  	v3 =	vor.u32 v3, v4  }
0xc1: {  	v4 =	vperm.xlane v3, v0;
	_ =	sdelay $0x1  }
0xc2: {  	v3 =	vperm.xlane v3, v2;
	v4 =	vadd.s32 v1, v4;
	_ =	sdelay $0x1  }
0xc3: {  	v3 =	vadd.s32 v1, v3;
	_ =	sdelay $0x2  }
0xc4: {  	[tilespmem:s13], [sflag:$0x3] =	stream.indirect_vreg.gather [hbm4b:s3+s2], $0x80, v4, vm0, $0xb8;
	[tilespmem:$0x1E800] =	vst v63  }
0xc5: {  	_ = 	snop  }
0xc6: {  	[tilespmem:s14], [sflag:$0x3] =	stream.indirect_vreg.gather [hbm4b:s3+s2], $0x80, v3, vm0, $0xb8;
	[tilespmem:$0x1E800] =	vst v63  }
0xc7: {  	v3 =	vld [tilespmem:$0xA0];
	_ =	sdelay $0x4  }
0xc8: {  	v54 =	vshll.u32 v3, $0x1  }
0xc9: {  	v3 =	vand.u32 $0x7, v3;
	v4 =	vand.u32 $0xFFFFFFF0, v54  }
0xca: {  	v3 =	vor.u32 v3, v4  }
0xcb: {  	v4 =	vperm.xlane v3, v0;
	_ =	sdelay $0x1  }
0xcc: {  	v3 =	vperm.xlane v3, v2;
	v4 =	vadd.s32 v1, v4;
	_ =	sdelay $0x1  }
0xcd: {  	v3 =	vadd.s32 v1, v3;
	_ =	sdelay $0x2  }
0xce: {  	[tilespmem:s15], [sflag:$0x3] =	stream.indirect_vreg.gather [hbm4b:s3+s2], $0x80, v4, vm0, $0xb8;
	[tilespmem:$0x1E800] =	vst v63  }
0xcf: {  	_ = 	snop  }
0xd0: {  	[tilespmem:s16], [sflag:$0x3] =	stream.indirect_vreg.gather [hbm4b:s3+s2], $0x80, v3, vm0, $0xb8;
	[tilespmem:$0x1E800] =	vst v63  }
0xd1: {  	v3 =	vld [tilespmem:$0xB0];
	_ =	sdelay $0x4  }
0xd2: {  	v55 =	vshll.u32 v3, $0x1  }
0xd3: {  	v3 =	vand.u32 $0x7, v3;
	v4 =	vand.u32 $0xFFFFFFF0, v55  }
0xd4: {  	v3 =	vor.u32 v3, v4  }
0xd5: {  	v4 =	vperm.xlane v3, v0;
	_ =	sdelay $0x1  }
0xd6: {  	v3 =	vperm.xlane v3, v2;
	v4 =	vadd.s32 v1, v4;
	_ =	sdelay $0x1  }
0xd7: {  	v3 =	vadd.s32 v1, v3;
	_ =	sdelay $0x2  }
0xd8: {  	[tilespmem:s17], [sflag:$0x3] =	stream.indirect_vreg.gather [hbm4b:s3+s2], $0x80, v4, vm0, $0xb8;
	[tilespmem:$0x1E800] =	vst v63  }
0xd9: {  	_ = 	snop  }
0xda: {  	[tilespmem:s18], [sflag:$0x3] =	stream.indirect_vreg.gather [hbm4b:s3+s2], $0x80, v3, vm0, $0xb8;
	[tilespmem:$0x1E800] =	vst v63  }
0xdb: {  	v3 =	vld [tilespmem:$0xC0];
	_ =	sdelay $0x4  }
0xdc: {  	v56 =	vshll.u32 v3, $0x1  }
0xdd: {  	v3 =	vand.u32 $0x7, v3;
	v4 =	vand.u32 $0xFFFFFFF0, v56  }
0xde: {  	v3 =	vor.u32 v3, v4  }
0xdf: {  	v4 =	vperm.xlane v3, v0;
	_ =	sdelay $0x1  }
0xe0: {  	v3 =	vperm.xlane v3, v2;
	v4 =	vadd.s32 v1, v4;
	_ =	sdelay $0x1  }
0xe1: {  	v3 =	vadd.s32 v1, v3;
	_ =	sdelay $0x2  }
0xe2: {  	[tilespmem:s19], [sflag:$0x3] =	stream.indirect_vreg.gather [hbm4b:s3+s2], $0x80, v4, vm0, $0xb8;
	[tilespmem:$0x1E800] =	vst v63  }
0xe3: {  	_ = 	snop  }
0xe4: {  	[tilespmem:s20], [sflag:$0x3] =	stream.indirect_vreg.gather [hbm4b:s3+s2], $0x80, v3, vm0, $0xb8;
	[tilespmem:$0x1E800] =	vst v63  }
0xe5: {  	v3 =	vld.msk [tilespmem:$0xD0], $0xff;
	_ =	sdelay $0x4  }
0xe6: {  	v57 =	vshll.u32 v3, $0x1  }
0xe7: {  	v3 =	vand.u32 $0x7, v3;
	v4 =	vand.u32 $0xFFFFFFF0, v57  }
0xe8: {  	v3 =	vor.u32 v3, v4  }
0xe9: {  	v3 =	vperm.xlane v3, v0;
	_ =	sdelay $0x1  }
0xea: {  	v3 =	vadd.s32 v1, v3;
	_ =	sdelay $0x4  }
0xeb: {  	[tilespmem:s21], [sflag:$0x3] =	stream.indirect_vreg.gather [hbm4b:s3+s2], $0x80, v3, vm0, $0xb8;
	[tilespmem:$0x1E800] =	vst v63  }
0xec: {  	v3 =	vld [tilespmem:$0x180];
	_ =	sdelay $0x4  }
0xed: {  	v58 =	vshll.u32 v3, $0x1  }
0xee: {  	v3 =	vand.u32 $0x7, v3;
	v4 =	vand.u32 $0xFFFFFFF0, v58  }
0xef: {  	v3 =	vor.u32 v3, v4  }
0xf0: {  	v4 =	vperm.xlane v3, v0;
	_ =	sdelay $0x1  }
0xf1: {  	v3 =	vperm.xlane v3, v2;
	v4 =	vadd.s32 v1, v4;
	_ =	sdelay $0x1  }
0xf2: {  	v3 =	vadd.s32 v1, v3;
	_ =	sdelay $0x2  }
0xf3: {  	[tilespmem:s22], [sflag:$0x4] =	stream.indirect_vreg.gather [hbm4b:s3+s2], $0x80, v4, vm0, $0xb8;
	[tilespmem:$0x1E800] =	vst v63  }
0xf4: {  	_ = 	snop  }
0xf5: {  	[tilespmem:s23], [sflag:$0x4] =	stream.indirect_vreg.gather [hbm4b:s3+s2], $0x80, v3, vm0, $0xb8;
	[tilespmem:$0x1E800] =	vst v63  }
0xf6: {  	v3 =	vld [tilespmem:$0x190];
	_ =	sdelay $0x4  }
0xf7: {  	v59 =	vshll.u32 v3, $0x1  }
0xf8: {  	v3 =	vand.u32 $0x7, v3;
	v4 =	vand.u32 $0xFFFFFFF0, v59  }
0xf9: {  	v3 =	vor.u32 v3, v4  }
0xfa: {  	v4 =	vperm.xlane v3, v0;
	_ =	sdelay $0x1  }
0xfb: {  	v3 =	vperm.xlane v3, v2;
	v4 =	vadd.s32 v1, v4;
	_ =	sdelay $0x1  }
0xfc: {  	v3 =	vadd.s32 v1, v3;
	_ =	sdelay $0x2  }
0xfd: {  	[tilespmem:s24], [sflag:$0x4] =	stream.indirect_vreg.gather [hbm4b:s3+s2], $0x80, v4, vm0, $0xb8;
	[tilespmem:$0x1E800] =	vst v63  }
0xfe: {  	_ = 	snop  }
0xff: {  	[tilespmem:s25], [sflag:$0x4] =	stream.indirect_vreg.gather [hbm4b:s3+s2], $0x80, v3, vm0, $0xb8;
	[tilespmem:$0x1E800] =	vst v63  }
0x100: {  	v3 =	vld [tilespmem:$0x1A0];
	_ =	sdelay $0x4  }
0x101: {  	v60 =	vshll.u32 v3, $0x1  }
0x102: {  	v3 =	vand.u32 $0x7, v3;
	v4 =	vand.u32 $0xFFFFFFF0, v60  }
0x103: {  	v3 =	vor.u32 v3, v4  }
0x104: {  	v4 =	vperm.xlane v3, v0;
	_ =	sdelay $0x1  }
0x105: {  	v3 =	vperm.xlane v3, v2;
	v4 =	vadd.s32 v1, v4;
	_ =	sdelay $0x1  }
0x106: {  	v3 =	vadd.s32 v1, v3;
	_ =	sdelay $0x2  }
0x107: {  	[tilespmem:s26], [sflag:$0x4] =	stream.indirect_vreg.gather [hbm4b:s3+s2], $0x80, v4, vm0, $0xb8;
	[tilespmem:$0x1E800] =	vst v63  }
0x108: {  	_ = 	snop  }
0x109: {  	[tilespmem:s28], [sflag:$0x4] =	stream.indirect_vreg.gather [hbm4b:s3+s2], $0x80, v3, vm0, $0xb8;
	[tilespmem:$0x1E800] =	vst v63  }
0x10a: {  	v3 =	vld [tilespmem:$0x1B0];
	_ =	sdelay $0x4  }
0x10b: {  	v61 =	vshll.u32 v3, $0x1  }
0x10c: {  	v3 =	vand.u32 $0x7, v3;
	v4 =	vand.u32 $0xFFFFFFF0, v61  }
0x10d: {  	v3 =	vor.u32 v3, v4  }
0x10e: {  	v4 =	vperm.xlane v3, v0;
	_ =	sdelay $0x1  }
0x10f: {  	v3 =	vperm.xlane v3, v2;
	v4 =	vadd.s32 v1, v4;
	_ =	sdelay $0x1  }
0x110: {  	v3 =	vadd.s32 v1, v3;
	_ =	sdelay $0x2  }
0x111: {  	[tilespmem:s29], [sflag:$0x4] =	stream.indirect_vreg.gather [hbm4b:s3+s2], $0x80, v4, vm0, $0xb8;
	[tilespmem:$0x1E800] =	vst v63  }
0x112: {  	s6 =	simm.s32 $0x1A800  }
0x113: {  	[tilespmem:s6], [sflag:$0x4] =	stream.indirect_vreg.gather [hbm4b:s3+s2], $0x80, v3, vm0, $0xb8;
	[tilespmem:$0x1E800] =	vst v63  }
0x114: {  	v3 =	vld [tilespmem:$0x1C0];
	_ =	sdelay $0x4  }
0x115: {  	v62 =	vshll.u32 v3, $0x1  }
0x116: {  	v3 =	vand.u32 $0x7, v3;
	v4 =	vand.u32 $0xFFFFFFF0, v62  }
0x117: {  	v3 =	vor.u32 v3, v4  }
0x118: {  	v4 =	vperm.xlane v3, v0;
	_ =	sdelay $0x1  }
0x119: {  	v3 =	vperm.xlane v3, v2;
	v4 =	vadd.s32 v1, v4;
	_ =	sdelay $0x1  }
0x11a: {  	v3 =	vadd.s32 v1, v3;
	_ =	sdelay $0x2  }
0x11b: {  	[tilespmem:s7], [sflag:$0x4] =	stream.indirect_vreg.gather [hbm4b:s3+s2], $0x80, v4, vm0, $0xb8;
	[tilespmem:$0x1E800] =	vst v63  }
0x11c: {  	_ = 	snop  }
0x11d: {  	[tilespmem:s8], [sflag:$0x4] =	stream.indirect_vreg.gather [hbm4b:s3+s2], $0x80, v3, vm0, $0xb8;
	[tilespmem:$0x1E800] =	vst v63  }
0x11e: {  	v3 =	vld.msk [tilespmem:$0x1D0], $0xff;
	_ =	sdelay $0x4  }
0x11f: {  	v63 =	vshll.u32 v3, $0x1  }
0x120: {  	v3 =	vand.u32 $0x7, v3;
	v4 =	vand.u32 $0xFFFFFFF0, v63  }
0x121: {  	v3 =	vor.u32 v3, v4  }
0x122: {  	v3 =	vperm.xlane v3, v0;
	_ =	sdelay $0x1  }
0x123: {  	v3 =	vadd.s32 v1, v3;
	_ =	sdelay $0x3  }
0x124: {  	s4 =	simm.s32 $0x0  }
0x125: {  	[tilespmem:s9], [sflag:$0x4] =	stream.indirect_vreg.gather [hbm4b:s3+s2], $0x80, v3, vm0, $0xb8;
	[tilespmem:$0x1E800] =	vst v63  }
.LBB2_2:
0x126: {  	_ =	swait.ge [sflag:s30], $0x7000  }
0x127: {  	[sflag:s30] =	ssyncset.done $0x0  }
0x128: {  	s5 =	sshra.s32 s4, $0x2;
	[sflag:s30] =	ssyncadd.s32 $0xFFFF9000  }
0x129: {  	v3 =	vld [tilespmem:s5+$0x200];
	_ =	sdelay $0x4  }
0x12a: {  	v4 =	vshll.u32 v3, $0x1  }
0x12b: {  	v3 =	vand.u32 $0x7, v3;
	v4 =	vand.u32 $0xFFFFFFF0, v4  }
0x12c: {  	v3 =	vor.u32 v3, v4  }
0x12d: {  	v4 =	vperm.xlane v3, v0;
	_ =	sdelay $0x1  }
0x12e: {  	v3 =	vperm.xlane v3, v2;
	v4 =	vadd.s32 v1, v4;
	_ =	sdelay $0x1  }
0x12f: {  	v3 =	vadd.s32 v1, v3;
	_ =	sdelay $0x1  }
0x130: {  	s10 =	simm.s32 $0x2000  }
0x131: {  	[tilespmem:s10], [sflag:$0x1] =	stream.indirect_vreg.gather [hbm4b:s3+s2], $0x80, v4, vm0, $0xb8;
	[tilespmem:$0x1E800] =	vst v63  }
0x132: {  	s10 =	simm.s32 $0x2800  }
0x133: {  	[tilespmem:s10], [sflag:$0x1] =	stream.indirect_vreg.gather [hbm4b:s3+s2], $0x80, v3, vm0, $0xb8;
	[tilespmem:$0x1E800] =	vst v63  }
0x134: {  	v3 =	vld [tilespmem:s5+$0x210];
	_ =	sdelay $0x4  }
0x135: {  	v39 =	vshll.u32 v3, $0x1  }
0x136: {  	v3 =	vand.u32 $0x7, v3;
	v4 =	vand.u32 $0xFFFFFFF0, v39  }
0x137: {  	v3 =	vor.u32 v3, v4  }
0x138: {  	v4 =	vperm.xlane v3, v0;
	_ =	sdelay $0x1  }
0x139: {  	v3 =	vperm.xlane v3, v2;
	v4 =	vadd.s32 v1, v4;
	_ =	sdelay $0x1  }
0x13a: {  	v3 =	vadd.s32 v1, v3;
	_ =	sdelay $0x1  }
0x13b: {  	s10 =	simm.s32 $0x3000  }
0x13c: {  	[tilespmem:s10], [sflag:$0x1] =	stream.indirect_vreg.gather [hbm4b:s3+s2], $0x80, v4, vm0, $0xb8;
	[tilespmem:$0x1E800] =	vst v63  }
0x13d: {  	s10 =	simm.s32 $0x3800  }
0x13e: {  	[tilespmem:s10], [sflag:$0x1] =	stream.indirect_vreg.gather [hbm4b:s3+s2], $0x80, v3, vm0, $0xb8;
	[tilespmem:$0x1E800] =	vst v63  }
0x13f: {  	v3 =	vld [tilespmem:s5+$0x220];
	_ =	sdelay $0x4  }
0x140: {  	v40 =	vshll.u32 v3, $0x1  }
0x141: {  	v3 =	vand.u32 $0x7, v3;
	v4 =	vand.u32 $0xFFFFFFF0, v40  }
0x142: {  	v3 =	vor.u32 v3, v4  }
0x143: {  	v4 =	vperm.xlane v3, v0;
	_ =	sdelay $0x1  }
0x144: {  	v3 =	vperm.xlane v3, v2;
	v4 =	vadd.s32 v1, v4;
	_ =	sdelay $0x1  }
0x145: {  	v3 =	vadd.s32 v1, v3;
	_ =	sdelay $0x1  }
0x146: {  	s10 =	simm.s32 $0x4000  }
0x147: {  	[tilespmem:s10], [sflag:$0x1] =	stream.indirect_vreg.gather [hbm4b:s3+s2], $0x80, v4, vm0, $0xb8;
	[tilespmem:$0x1E800] =	vst v63  }
0x148: {  	s10 =	simm.s32 $0x4800  }
0x149: {  	[tilespmem:s10], [sflag:$0x1] =	stream.indirect_vreg.gather [hbm4b:s3+s2], $0x80, v3, vm0, $0xb8;
	[tilespmem:$0x1E800] =	vst v63  }
0x14a: {  	v3 =	vld [tilespmem:s5+$0x230];
	_ =	sdelay $0x4  }
0x14b: {  	v41 =	vshll.u32 v3, $0x1  }
0x14c: {  	v3 =	vand.u32 $0x7, v3;
	v4 =	vand.u32 $0xFFFFFFF0, v41  }
0x14d: {  	v3 =	vor.u32 v3, v4  }
0x14e: {  	v4 =	vperm.xlane v3, v0;
	_ =	sdelay $0x1  }
0x14f: {  	v3 =	vperm.xlane v3, v2;
	v4 =	vadd.s32 v1, v4;
	_ =	sdelay $0x1  }
0x150: {  	v3 =	vadd.s32 v1, v3;
	_ =	sdelay $0x1  }
0x151: {  	s10 =	simm.s32 $0x5000  }
0x152: {  	[tilespmem:s10], [sflag:$0x1] =	stream.indirect_vreg.gather [hbm4b:s3+s2], $0x80, v4, vm0, $0xb8;
	[tilespmem:$0x1E800] =	vst v63  }
0x153: {  	s10 =	simm.s32 $0x5800  }
0x154: {  	[tilespmem:s10], [sflag:$0x1] =	stream.indirect_vreg.gather [hbm4b:s3+s2], $0x80, v3, vm0, $0xb8;
	[tilespmem:$0x1E800] =	vst v63  }
0x155: {  	v3 =	vld [tilespmem:s5+$0x240];
	_ =	sdelay $0x4  }
0x156: {  	v42 =	vshll.u32 v3, $0x1  }
0x157: {  	v3 =	vand.u32 $0x7, v3;
	v4 =	vand.u32 $0xFFFFFFF0, v42  }
0x158: {  	v3 =	vor.u32 v3, v4  }
0x159: {  	v4 =	vperm.xlane v3, v0;
	_ =	sdelay $0x1  }
0x15a: {  	v3 =	vperm.xlane v3, v2;
	v4 =	vadd.s32 v1, v4;
	_ =	sdelay $0x1  }
0x15b: {  	v3 =	vadd.s32 v1, v3;
	_ =	sdelay $0x1  }
0x15c: {  	s10 =	simm.s32 $0x6000  }
0x15d: {  	[tilespmem:s10], [sflag:$0x1] =	stream.indirect_vreg.gather [hbm4b:s3+s2], $0x80, v4, vm0, $0xb8;
	[tilespmem:$0x1E800] =	vst v63  }
0x15e: {  	s10 =	simm.s32 $0x6800  }
0x15f: {  	[tilespmem:s10], [sflag:$0x1] =	stream.indirect_vreg.gather [hbm4b:s3+s2], $0x80, v3, vm0, $0xb8;
	[tilespmem:$0x1E800] =	vst v63  }
0x160: {  	v3 =	vld [tilespmem:s5+$0x250];
	_ =	sdelay $0x4  }
0x161: {  	v43 =	vshll.u32 v3, $0x1  }
0x162: {  	v3 =	vand.u32 $0x7, v3;
	v4 =	vand.u32 $0xFFFFFFF0, v43  }
0x163: {  	v3 =	vor.u32 v3, v4  }
0x164: {  	v4 =	vperm.xlane v3, v0;
	_ =	sdelay $0x1  }
0x165: {  	v3 =	vperm.xlane v3, v2;
	v4 =	vadd.s32 v1, v4;
	_ =	sdelay $0x1  }
0x166: {  	v3 =	vadd.s32 v1, v3;
	_ =	sdelay $0x1  }
0x167: {  	s10 =	simm.s32 $0x7000  }
0x168: {  	[tilespmem:s10], [sflag:$0x1] =	stream.indirect_vreg.gather [hbm4b:s3+s2], $0x80, v4, vm0, $0xb8;
	[tilespmem:$0x1E800] =	vst v63  }
0x169: {  	s10 =	simm.s32 $0x7800  }
0x16a: {  	[tilespmem:s10], [sflag:$0x1] =	stream.indirect_vreg.gather [hbm4b:s3+s2], $0x80, v3, vm0, $0xb8;
	[tilespmem:$0x1E800] =	vst v63  }
0x16b: {  	v3 =	vld [tilespmem:s5+$0x260];
	_ =	sdelay $0x4  }
0x16c: {  	v44 =	vshll.u32 v3, $0x1  }
0x16d: {  	v3 =	vand.u32 $0x7, v3;
	v4 =	vand.u32 $0xFFFFFFF0, v44  }
0x16e: {  	v3 =	vor.u32 v3, v4  }
0x16f: {  	v4 =	vperm.xlane v3, v0;
	_ =	sdelay $0x1  }
0x170: {  	v3 =	vperm.xlane v3, v2;
	v4 =	vadd.s32 v1, v4;
	_ =	sdelay $0x1  }
0x171: {  	v3 =	vadd.s32 v1, v3;
	_ =	sdelay $0x1  }
0x172: {  	s10 =	simm.s32 $0x8000  }
0x173: {  	[tilespmem:s10], [sflag:$0x1] =	stream.indirect_vreg.gather [hbm4b:s3+s2], $0x80, v4, vm0, $0xb8;
	[tilespmem:$0x1E800] =	vst v63  }
0x174: {  	s10 =	simm.s32 $0x8800  }
0x175: {  	[tilespmem:s10], [sflag:$0x1] =	stream.indirect_vreg.gather [hbm4b:s3+s2], $0x80, v3, vm0, $0xb8;
	[tilespmem:$0x1E800] =	vst v63  }
0x176: {  	_ =	swait.ge [sflag:s31], $0x5800  }
0x177: {  	[sflag:s31] =	ssyncset.done $0x0  }
0x178: {  	[sflag:s31] =	ssyncadd.s32 $0xFFFFA800  }
0x179: {  	v3 =	vld [tilespmem:s5+$0x280];
	_ =	sdelay $0x4  }
0x17a: {  	v45 =	vshll.u32 v3, $0x1  }
0x17b: {  	v3 =	vand.u32 $0x7, v3;
	v4 =	vand.u32 $0xFFFFFFF0, v45  }
0x17c: {  	v3 =	vor.u32 v3, v4  }
0x17d: {  	v4 =	vperm.xlane v3, v0;
	_ =	sdelay $0x1  }
0x17e: {  	v3 =	vperm.xlane v3, v2;
	v4 =	vadd.s32 v1, v4;
	_ =	sdelay $0x1  }
0x17f: {  	v3 =	vadd.s32 v1, v3;
	_ =	sdelay $0x2  }
0x180: {  	[tilespmem:s11], [sflag:$0x3] =	stream.indirect_vreg.gather [hbm4b:s3+s2], $0x80, v4, vm0, $0xb8;
	[tilespmem:$0x1E800] =	vst v63  }
0x181: {  	_ = 	snop  }
0x182: {  	[tilespmem:s12], [sflag:$0x3] =	stream.indirect_vreg.gather [hbm4b:s3+s2], $0x80, v3, vm0, $0xb8;
	[tilespmem:$0x1E800] =	vst v63  }
0x183: {  	v3 =	vld [tilespmem:s5+$0x290];
	_ =	sdelay $0x4  }
0x184: {  	v46 =	vshll.u32 v3, $0x1  }
0x185: {  	v3 =	vand.u32 $0x7, v3;
	v4 =	vand.u32 $0xFFFFFFF0, v46  }
0x186: {  	v3 =	vor.u32 v3, v4  }
0x187: {  	v4 =	vperm.xlane v3, v0;
	_ =	sdelay $0x1  }
0x188: {  	v3 =	vperm.xlane v3, v2;
	v4 =	vadd.s32 v1, v4;
	_ =	sdelay $0x1  }
0x189: {  	v3 =	vadd.s32 v1, v3;
	_ =	sdelay $0x2  }
0x18a: {  	[tilespmem:s13], [sflag:$0x3] =	stream.indirect_vreg.gather [hbm4b:s3+s2], $0x80, v4, vm0, $0xb8;
	[tilespmem:$0x1E800] =	vst v63  }
0x18b: {  	_ = 	snop  }
0x18c: {  	[tilespmem:s14], [sflag:$0x3] =	stream.indirect_vreg.gather [hbm4b:s3+s2], $0x80, v3, vm0, $0xb8;
	[tilespmem:$0x1E800] =	vst v63  }
0x18d: {  	v3 =	vld [tilespmem:s5+$0x2A0];
	_ =	sdelay $0x4  }
0x18e: {  	v47 =	vshll.u32 v3, $0x1  }
0x18f: {  	v3 =	vand.u32 $0x7, v3;
	v4 =	vand.u32 $0xFFFFFFF0, v47  }
0x190: {  	v3 =	vor.u32 v3, v4  }
0x191: {  	v4 =	vperm.xlane v3, v0;
	_ =	sdelay $0x1  }
0x192: {  	v3 =	vperm.xlane v3, v2;
	v4 =	vadd.s32 v1, v4;
	_ =	sdelay $0x1  }
0x193: {  	v3 =	vadd.s32 v1, v3;
	_ =	sdelay $0x2  }
0x194: {  	[tilespmem:s15], [sflag:$0x3] =	stream.indirect_vreg.gather [hbm4b:s3+s2], $0x80, v4, vm0, $0xb8;
	[tilespmem:$0x1E800] =	vst v63  }
0x195: {  	_ = 	snop  }
0x196: {  	[tilespmem:s16], [sflag:$0x3] =	stream.indirect_vreg.gather [hbm4b:s3+s2], $0x80, v3, vm0, $0xb8;
	[tilespmem:$0x1E800] =	vst v63  }
0x197: {  	v3 =	vld [tilespmem:s5+$0x2B0];
	_ =	sdelay $0x4  }
0x198: {  	v48 =	vshll.u32 v3, $0x1  }
0x199: {  	v3 =	vand.u32 $0x7, v3;
	v4 =	vand.u32 $0xFFFFFFF0, v48  }
0x19a: {  	v3 =	vor.u32 v3, v4  }
0x19b: {  	v4 =	vperm.xlane v3, v0;
	_ =	sdelay $0x1  }
0x19c: {  	v3 =	vperm.xlane v3, v2;
	v4 =	vadd.s32 v1, v4;
	_ =	sdelay $0x1  }
0x19d: {  	v3 =	vadd.s32 v1, v3;
	_ =	sdelay $0x2  }
0x19e: {  	[tilespmem:s17], [sflag:$0x3] =	stream.indirect_vreg.gather [hbm4b:s3+s2], $0x80, v4, vm0, $0xb8;
	[tilespmem:$0x1E800] =	vst v63  }
0x19f: {  	_ = 	snop  }
0x1a0: {  	[tilespmem:s18], [sflag:$0x3] =	stream.indirect_vreg.gather [hbm4b:s3+s2], $0x80, v3, vm0, $0xb8;
	[tilespmem:$0x1E800] =	vst v63  }
0x1a1: {  	v3 =	vld [tilespmem:s5+$0x2C0];
	_ =	sdelay $0x4  }
0x1a2: {  	v49 =	vshll.u32 v3, $0x1  }
0x1a3: {  	v3 =	vand.u32 $0x7, v3;
	v4 =	vand.u32 $0xFFFFFFF0, v49  }
0x1a4: {  	v3 =	vor.u32 v3, v4  }
0x1a5: {  	v4 =	vperm.xlane v3, v0;
	_ =	sdelay $0x1  }
0x1a6: {  	v3 =	vperm.xlane v3, v2;
	v4 =	vadd.s32 v1, v4;
	_ =	sdelay $0x1  }
0x1a7: {  	v3 =	vadd.s32 v1, v3;
	_ =	sdelay $0x2  }
0x1a8: {  	[tilespmem:s19], [sflag:$0x3] =	stream.indirect_vreg.gather [hbm4b:s3+s2], $0x80, v4, vm0, $0xb8;
	[tilespmem:$0x1E800] =	vst v63  }
0x1a9: {  	_ = 	snop  }
0x1aa: {  	[tilespmem:s20], [sflag:$0x3] =	stream.indirect_vreg.gather [hbm4b:s3+s2], $0x80, v3, vm0, $0xb8;
	[tilespmem:$0x1E800] =	vst v63  }
0x1ab: {  	v3 =	vld.msk [tilespmem:s5+$0x2D0], $0xff;
	_ =	sdelay $0x4  }
0x1ac: {  	v50 =	vshll.u32 v3, $0x1  }
0x1ad: {  	v3 =	vand.u32 $0x7, v3;
	v4 =	vand.u32 $0xFFFFFFF0, v50  }
0x1ae: {  	v3 =	vor.u32 v3, v4  }
0x1af: {  	v3 =	vperm.xlane v3, v0;
	_ =	sdelay $0x1  }
0x1b0: {  	v3 =	vadd.s32 v1, v3;
	_ =	sdelay $0x4  }
0x1b1: {  	[tilespmem:s21], [sflag:$0x3] =	stream.indirect_vreg.gather [hbm4b:s3+s2], $0x80, v3, vm0, $0xb8;
	[tilespmem:$0x1E800] =	vst v63  }
0x1b2: {  	_ =	swait.ge [sflag:s1], $0x7000  }
0x1b3: {  	[sflag:s1] =	ssyncset.done $0x0  }
0x1b4: {  	[sflag:s1] =	ssyncadd.s32 $0xFFFF9000  }
0x1b5: {  	v3 =	vld [tilespmem:s5+$0x300];
	_ =	sdelay $0x4  }
0x1b6: {  	v51 =	vshll.u32 v3, $0x1  }
0x1b7: {  	v3 =	vand.u32 $0x7, v3;
	v4 =	vand.u32 $0xFFFFFFF0, v51  }
0x1b8: {  	v3 =	vor.u32 v3, v4  }
0x1b9: {  	v4 =	vperm.xlane v3, v0;
	_ =	sdelay $0x1  }
0x1ba: {  	v3 =	vperm.xlane v3, v2;
	v4 =	vadd.s32 v1, v4;
	_ =	sdelay $0x1  }
0x1bb: {  	v3 =	vadd.s32 v1, v3;
	_ =	sdelay $0x1  }
0x1bc: {  	s10 =	simm.s32 $0x9000  }
0x1bd: {  	[tilespmem:s10], [sflag:$0x2] =	stream.indirect_vreg.gather [hbm4b:s3+s2], $0x80, v4, vm0, $0xb8;
	[tilespmem:$0x1E800] =	vst v63  }
0x1be: {  	s10 =	simm.s32 $0x9800  }
0x1bf: {  	[tilespmem:s10], [sflag:$0x2] =	stream.indirect_vreg.gather [hbm4b:s3+s2], $0x80, v3, vm0, $0xb8;
	[tilespmem:$0x1E800] =	vst v63  }
0x1c0: {  	v3 =	vld [tilespmem:s5+$0x310];
	_ =	sdelay $0x4  }
0x1c1: {  	v52 =	vshll.u32 v3, $0x1  }
0x1c2: {  	v3 =	vand.u32 $0x7, v3;
	v4 =	vand.u32 $0xFFFFFFF0, v52  }
0x1c3: {  	v3 =	vor.u32 v3, v4  }
0x1c4: {  	v4 =	vperm.xlane v3, v0;
	_ =	sdelay $0x1  }
0x1c5: {  	v3 =	vperm.xlane v3, v2;
	v4 =	vadd.s32 v1, v4;
	_ =	sdelay $0x1  }
0x1c6: {  	v3 =	vadd.s32 v1, v3;
	_ =	sdelay $0x1  }
0x1c7: {  	s10 =	simm.s32 $0xA000  }
0x1c8: {  	[tilespmem:s10], [sflag:$0x2] =	stream.indirect_vreg.gather [hbm4b:s3+s2], $0x80, v4, vm0, $0xb8;
	[tilespmem:$0x1E800] =	vst v63  }
0x1c9: {  	s10 =	simm.s32 $0xA800  }
0x1ca: {  	[tilespmem:s10], [sflag:$0x2] =	stream.indirect_vreg.gather [hbm4b:s3+s2], $0x80, v3, vm0, $0xb8;
	[tilespmem:$0x1E800] =	vst v63  }
0x1cb: {  	v3 =	vld [tilespmem:s5+$0x320];
	_ =	sdelay $0x4  }
0x1cc: {  	v53 =	vshll.u32 v3, $0x1  }
0x1cd: {  	v3 =	vand.u32 $0x7, v3;
	v4 =	vand.u32 $0xFFFFFFF0, v53  }
0x1ce: {  	v3 =	vor.u32 v3, v4  }
0x1cf: {  	v4 =	vperm.xlane v3, v0;
	_ =	sdelay $0x1  }
0x1d0: {  	v3 =	vperm.xlane v3, v2;
	v4 =	vadd.s32 v1, v4;
	_ =	sdelay $0x1  }
0x1d1: {  	v3 =	vadd.s32 v1, v3;
	_ =	sdelay $0x1  }
0x1d2: {  	s10 =	simm.s32 $0xB000  }
0x1d3: {  	[tilespmem:s10], [sflag:$0x2] =	stream.indirect_vreg.gather [hbm4b:s3+s2], $0x80, v4, vm0, $0xb8;
	[tilespmem:$0x1E800] =	vst v63  }
0x1d4: {  	s10 =	simm.s32 $0xB800  }
0x1d5: {  	[tilespmem:s10], [sflag:$0x2] =	stream.indirect_vreg.gather [hbm4b:s3+s2], $0x80, v3, vm0, $0xb8;
	[tilespmem:$0x1E800] =	vst v63  }
0x1d6: {  	v3 =	vld [tilespmem:s5+$0x330];
	_ =	sdelay $0x4  }
0x1d7: {  	v54 =	vshll.u32 v3, $0x1  }
0x1d8: {  	v3 =	vand.u32 $0x7, v3;
	v4 =	vand.u32 $0xFFFFFFF0, v54  }
0x1d9: {  	v3 =	vor.u32 v3, v4  }
0x1da: {  	v4 =	vperm.xlane v3, v0;
	_ =	sdelay $0x1  }
0x1db: {  	v3 =	vperm.xlane v3, v2;
	v4 =	vadd.s32 v1, v4;
	_ =	sdelay $0x1  }
0x1dc: {  	v3 =	vadd.s32 v1, v3;
	_ =	sdelay $0x1  }
0x1dd: {  	s10 =	simm.s32 $0xC000  }
0x1de: {  	[tilespmem:s10], [sflag:$0x2] =	stream.indirect_vreg.gather [hbm4b:s3+s2], $0x80, v4, vm0, $0xb8;
	[tilespmem:$0x1E800] =	vst v63  }
0x1df: {  	s10 =	simm.s32 $0xC800  }
0x1e0: {  	[tilespmem:s10], [sflag:$0x2] =	stream.indirect_vreg.gather [hbm4b:s3+s2], $0x80, v3, vm0, $0xb8;
	[tilespmem:$0x1E800] =	vst v63  }
0x1e1: {  	v3 =	vld [tilespmem:s5+$0x340];
	_ =	sdelay $0x4  }
0x1e2: {  	v55 =	vshll.u32 v3, $0x1  }
0x1e3: {  	v3 =	vand.u32 $0x7, v3;
	v4 =	vand.u32 $0xFFFFFFF0, v55  }
0x1e4: {  	v3 =	vor.u32 v3, v4  }
0x1e5: {  	v4 =	vperm.xlane v3, v0;
	_ =	sdelay $0x1  }
0x1e6: {  	v3 =	vperm.xlane v3, v2;
	v4 =	vadd.s32 v1, v4;
	_ =	sdelay $0x1  }
0x1e7: {  	v3 =	vadd.s32 v1, v3;
	_ =	sdelay $0x1  }
0x1e8: {  	s10 =	simm.s32 $0xD000  }
0x1e9: {  	[tilespmem:s10], [sflag:$0x2] =	stream.indirect_vreg.gather [hbm4b:s3+s2], $0x80, v4, vm0, $0xb8;
	[tilespmem:$0x1E800] =	vst v63  }
0x1ea: {  	s10 =	simm.s32 $0xD800  }
0x1eb: {  	[tilespmem:s10], [sflag:$0x2] =	stream.indirect_vreg.gather [hbm4b:s3+s2], $0x80, v3, vm0, $0xb8;
	[tilespmem:$0x1E800] =	vst v63  }
0x1ec: {  	v3 =	vld [tilespmem:s5+$0x350];
	_ =	sdelay $0x4  }
0x1ed: {  	v56 =	vshll.u32 v3, $0x1  }
0x1ee: {  	v3 =	vand.u32 $0x7, v3;
	v4 =	vand.u32 $0xFFFFFFF0, v56  }
0x1ef: {  	v3 =	vor.u32 v3, v4  }
0x1f0: {  	v4 =	vperm.xlane v3, v0;
	_ =	sdelay $0x1  }
0x1f1: {  	v3 =	vperm.xlane v3, v2;
	v4 =	vadd.s32 v1, v4;
	_ =	sdelay $0x1  }
0x1f2: {  	v3 =	vadd.s32 v1, v3;
	_ =	sdelay $0x1  }
0x1f3: {  	s10 =	simm.s32 $0xE000  }
0x1f4: {  	[tilespmem:s10], [sflag:$0x2] =	stream.indirect_vreg.gather [hbm4b:s3+s2], $0x80, v4, vm0, $0xb8;
	[tilespmem:$0x1E800] =	vst v63  }
0x1f5: {  	s10 =	simm.s32 $0xE800  }
0x1f6: {  	[tilespmem:s10], [sflag:$0x2] =	stream.indirect_vreg.gather [hbm4b:s3+s2], $0x80, v3, vm0, $0xb8;
	[tilespmem:$0x1E800] =	vst v63  }
0x1f7: {  	v3 =	vld [tilespmem:s5+$0x360];
	_ =	sdelay $0x4  }
0x1f8: {  	v57 =	vshll.u32 v3, $0x1  }
0x1f9: {  	v3 =	vand.u32 $0x7, v3;
	v4 =	vand.u32 $0xFFFFFFF0, v57  }
0x1fa: {  	v3 =	vor.u32 v3, v4  }
0x1fb: {  	v4 =	vperm.xlane v3, v0;
	_ =	sdelay $0x1  }
0x1fc: {  	v3 =	vperm.xlane v3, v2;
	v4 =	vadd.s32 v1, v4;
	_ =	sdelay $0x1  }
0x1fd: {  	v3 =	vadd.s32 v1, v3;
	_ =	sdelay $0x1  }
0x1fe: {  	s10 =	simm.s32 $0xF000  }
0x1ff: {  	[tilespmem:s10], [sflag:$0x2] =	stream.indirect_vreg.gather [hbm4b:s3+s2], $0x80, v4, vm0, $0xb8;
	[tilespmem:$0x1E800] =	vst v63  }
0x200: {  	s10 =	simm.s32 $0xF800  }
0x201: {  	[tilespmem:s10], [sflag:$0x2] =	stream.indirect_vreg.gather [hbm4b:s3+s2], $0x80, v3, vm0, $0xb8;
	[tilespmem:$0x1E800] =	vst v63  }
0x202: {  	_ =	swait.ge [sflag:s0], $0x5800  }
0x203: {  	[sflag:s0] =	ssyncset.done $0x0  }
0x204: {  	[sflag:s0] =	ssyncadd.s32 $0xFFFFA800  }
0x205: {  	v3 =	vld [tilespmem:s5+$0x380];
	_ =	sdelay $0x4  }
0x206: {  	v58 =	vshll.u32 v3, $0x1  }
0x207: {  	v3 =	vand.u32 $0x7, v3;
	v4 =	vand.u32 $0xFFFFFFF0, v58  }
0x208: {  	v3 =	vor.u32 v3, v4  }
0x209: {  	v4 =	vperm.xlane v3, v0;
	_ =	sdelay $0x1  }
0x20a: {  	v3 =	vperm.xlane v3, v2;
	v4 =	vadd.s32 v1, v4;
	_ =	sdelay $0x1  }
0x20b: {  	v3 =	vadd.s32 v1, v3;
	_ =	sdelay $0x2  }
0x20c: {  	[tilespmem:s22], [sflag:$0x4] =	stream.indirect_vreg.gather [hbm4b:s3+s2], $0x80, v4, vm0, $0xb8;
	[tilespmem:$0x1E800] =	vst v63  }
0x20d: {  	_ = 	snop  }
0x20e: {  	[tilespmem:s23], [sflag:$0x4] =	stream.indirect_vreg.gather [hbm4b:s3+s2], $0x80, v3, vm0, $0xb8;
	[tilespmem:$0x1E800] =	vst v63  }
0x20f: {  	v3 =	vld [tilespmem:s5+$0x390];
	_ =	sdelay $0x4  }
0x210: {  	v59 =	vshll.u32 v3, $0x1  }
0x211: {  	v3 =	vand.u32 $0x7, v3;
	v4 =	vand.u32 $0xFFFFFFF0, v59  }
0x212: {  	v3 =	vor.u32 v3, v4  }
0x213: {  	v4 =	vperm.xlane v3, v0;
	_ =	sdelay $0x1  }
0x214: {  	v3 =	vperm.xlane v3, v2;
	v4 =	vadd.s32 v1, v4;
	_ =	sdelay $0x1  }
0x215: {  	v3 =	vadd.s32 v1, v3;
	_ =	sdelay $0x2  }
0x216: {  	[tilespmem:s24], [sflag:$0x4] =	stream.indirect_vreg.gather [hbm4b:s3+s2], $0x80, v4, vm0, $0xb8;
	[tilespmem:$0x1E800] =	vst v63  }
0x217: {  	_ = 	snop  }
0x218: {  	[tilespmem:s25], [sflag:$0x4] =	stream.indirect_vreg.gather [hbm4b:s3+s2], $0x80, v3, vm0, $0xb8;
	[tilespmem:$0x1E800] =	vst v63  }
0x219: {  	v3 =	vld [tilespmem:s5+$0x3A0];
	_ =	sdelay $0x4  }
0x21a: {  	v60 =	vshll.u32 v3, $0x1  }
0x21b: {  	v3 =	vand.u32 $0x7, v3;
	v4 =	vand.u32 $0xFFFFFFF0, v60  }
0x21c: {  	v3 =	vor.u32 v3, v4  }
0x21d: {  	v4 =	vperm.xlane v3, v0;
	_ =	sdelay $0x1  }
0x21e: {  	v3 =	vperm.xlane v3, v2;
	v4 =	vadd.s32 v1, v4;
	_ =	sdelay $0x1  }
0x21f: {  	v3 =	vadd.s32 v1, v3;
	_ =	sdelay $0x2  }
0x220: {  	[tilespmem:s26], [sflag:$0x4] =	stream.indirect_vreg.gather [hbm4b:s3+s2], $0x80, v4, vm0, $0xb8;
	[tilespmem:$0x1E800] =	vst v63  }
0x221: {  	_ = 	snop  }
0x222: {  	[tilespmem:s28], [sflag:$0x4] =	stream.indirect_vreg.gather [hbm4b:s3+s2], $0x80, v3, vm0, $0xb8;
	[tilespmem:$0x1E800] =	vst v63  }
0x223: {  	v3 =	vld [tilespmem:s5+$0x3B0];
	_ =	sdelay $0x4  }
0x224: {  	v61 =	vshll.u32 v3, $0x1  }
0x225: {  	v3 =	vand.u32 $0x7, v3;
	v4 =	vand.u32 $0xFFFFFFF0, v61  }
0x226: {  	v3 =	vor.u32 v3, v4  }
0x227: {  	v4 =	vperm.xlane v3, v0;
	_ =	sdelay $0x1  }
0x228: {  	v3 =	vperm.xlane v3, v2;
	v4 =	vadd.s32 v1, v4;
	_ =	sdelay $0x1  }
0x229: {  	v3 =	vadd.s32 v1, v3;
	_ =	sdelay $0x2  }
0x22a: {  	[tilespmem:s29], [sflag:$0x4] =	stream.indirect_vreg.gather [hbm4b:s3+s2], $0x80, v4, vm0, $0xb8;
	[tilespmem:$0x1E800] =	vst v63  }
0x22b: {  	_ = 	snop  }
0x22c: {  	[tilespmem:s6], [sflag:$0x4] =	stream.indirect_vreg.gather [hbm4b:s3+s2], $0x80, v3, vm0, $0xb8;
	[tilespmem:$0x1E800] =	vst v63  }
0x22d: {  	v3 =	vld [tilespmem:s5+$0x3C0];
	_ =	sdelay $0x4  }
0x22e: {  	v62 =	vshll.u32 v3, $0x1  }
0x22f: {  	v3 =	vand.u32 $0x7, v3;
	v4 =	vand.u32 $0xFFFFFFF0, v62  }
0x230: {  	v3 =	vor.u32 v3, v4  }
0x231: {  	v4 =	vperm.xlane v3, v0;
	_ =	sdelay $0x1  }
0x232: {  	v3 =	vperm.xlane v3, v2;
	v4 =	vadd.s32 v1, v4;
	_ =	sdelay $0x1  }
0x233: {  	v3 =	vadd.s32 v1, v3;
	_ =	sdelay $0x2  }
0x234: {  	[tilespmem:s7], [sflag:$0x4] =	stream.indirect_vreg.gather [hbm4b:s3+s2], $0x80, v4, vm0, $0xb8;
	[tilespmem:$0x1E800] =	vst v63  }
0x235: {  	_ = 	snop  }
0x236: {  	[tilespmem:s8], [sflag:$0x4] =	stream.indirect_vreg.gather [hbm4b:s3+s2], $0x80, v3, vm0, $0xb8;
	[tilespmem:$0x1E800] =	vst v63  }
0x237: {  	v3 =	vld.msk [tilespmem:s5+$0x3D0], $0xff;
	_ =	sdelay $0x4  }
0x238: {  	v63 =	vshll.u32 v3, $0x1  }
0x239: {  	v3 =	vand.u32 $0x7, v3;
	v4 =	vand.u32 $0xFFFFFFF0, v63  }
0x23a: {  	v3 =	vor.u32 v3, v4  }
0x23b: {  	v3 =	vperm.xlane v3, v0;
	_ =	sdelay $0x1  }
0x23c: {  	p0 =	sne.s32 s4, $0x7000;
	v3 =	vadd.s32 v1, v3  }
.Ltmp0:
0x23d: {  	_ = 	snop;
	(pc) =	sbr.rel @p0 .LBB2_2-.Ltmp0, $3  }
0x23e: {  	_ =	sdelay $0x1  }
0x23f: {  	s4 =	sadd.s32 $0x800, s4  }
0x240: {  	[tilespmem:s9], [sflag:$0x4] =	stream.indirect_vreg.gather [hbm4b:s3+s2], $0x80, v3, vm0, $0xb8;
	[tilespmem:$0x1E800] =	vst v63  }
0x241: {  	_ =	swait.ge [sflag:s30], $0x7000  }
0x242: {  	[sflag:s30] =	ssyncset.done $0x0  }
0x243: {  	[sflag:s30] =	ssyncadd.s32 $0xFFFF9000  }
0x244: {  	_ =	swait.ge [sflag:s1], $0x7000  }
0x245: {  	[sflag:s1] =	ssyncset.done $0x0  }
0x246: {  	[sflag:s1] =	ssyncadd.s32 $0xFFFF9000  }
0x247: {  	_ =	swait.ge [sflag:s31], $0x5800  }
0x248: {  	[sflag:s31] =	ssyncset.done $0x0  }
0x249: {  	[sflag:s31] =	ssyncadd.s32 $0xFFFFA800  }
0x24a: {  	_ =	swait.ge [sflag:s0], $0x5800  }
0x24b: {  	[sflag:s0] =	ssyncset.done $0x0  }
0x24c: {  	s5 =	simm.s32 $0x1E000;
	s4 =	rddreg [dreg:$0x4];
	[sflag:s0] =	ssyncadd.s32 $0xFFFFA800  }
0x24d: {  	[hbm4b:s4+s2] =	stream.linear.scatter [tilespmem:s5], [sflag:$0x5], $0x800, $0x38;
	[tilespmem:$0x1E800] =	vst v63  }
0x24e: {  	s5 =	simm.s32 $0x5  }
0x24f: {  	_ =	swait.ge [sflag:s5], $0x800  }
0x250: {  	s6 =	rddreg [dreg:$0x6]  }
0x251: {  	s10 =	rddreg [dreg:$0x5];
	s6 =	sadd.s32 $0x1, s6  }
0x252: {  	p0 =	sne.s32 s6, s10  }
.Ltmp1:
0x253: {  	_ = 	snop;
	(pc) =	sbr.rel @p0 .LBB2_1-.Ltmp1, $3  }
0x254: {  	_ =	sdelay $0x1  }
0x255: {  	[sflag:s5] =	ssyncset.done $0x0  }
0x256: {  	[sflag:s5] =	ssyncadd.s32 $0xFFFFF800  }
0x257: {  	_ =	sfence.sel $0x180000  }
0x258: {  	[bflag:$0x0] =	sbarrier.arrive $0xFFFF  }
0x259: {  	_ =	strace $0x90000047  }
0x25a: {  	s0 =	stileid.u32;
	[bflag:$0x2] =	sbarrier.arrive $0xFFFF  }
0x25b: {  	p0 =	sne.s32 s0, $0x0;
	s0 =	rddreg [dreg:$0x2]  }
0x25c: {  	s0 =	sadd.s32 @!p0 $0x100000, s0  }
0x25d: {  	[sflag:s0] =	ssyncadd.tile.s32 @!p0 $0x1;
	_ =	shalt  }
.Lfunc_end2:
_tile_overlayer_lowered:
.L_overlay_start_2:
0x25e: {  	(tag) =	ssettag $0x2  }
0x25f: {  	s0 =	rddreg [dreg:$0x0];
	s2 =	stileid.u32  }
0x260: {  	s1 =	rddreg [dreg:$0x1];
	p0 =	sne.s32 s2, $0x0  }
0x261: {  	s3 =	rddreg [dreg:$0x2];
	[bflag:$0x3] =	sbarrier.arrive $0xFFFF;
	s2 =	simm.s32 @!p0 $0x1C05  }
0x262: {  	[timem:s3], [sflag:s2] =	dma.local @!p0 [hbm:s0], s1  }
0x263: {  	s0 =	simm.s32 @!p0 $0x5  }
0x264: {  	_ =	swait.ge @!p0 [sflag:s0], s1  }
0x265: {  	s1 =	ssub.s32 @!p0 $0x0, s1;
	[sflag:s0] =	ssyncset.done @!p0 $0x0  }
0x266: {  	[sflag:s0] =	ssyncadd.s32 @!p0 s1  }
0x267: {  	[bflag:$0x3] =	sbarrier.arrive $0xFFFF  }
0x268: {  	_ =	shalt  }

// kernel: sparse-core-data-format-call.cloned.1.call-start
scs
called_computation_lowered:
.L_overlay_start_0:
0x0: {  	s2 =	sld [smem:$0x3FD9]  }
0x1: {  	s3 =	sld [smem:$0x3FFE];
	_ =	sdelay $0x1  }
0x2: {  	s1 =	srdreg.scid  }
0x3: {  	s0 =	sand.u32 $0x1, s1  }
0x4: {  	s18 =	sshll.u32 s0, $0xA;
	s2 =	sadd.s32 s3, s2  }
0x5: {  	s2 =	sadd.s32 s2, s18  }
0x6: {  	[smem:$0x3FC3] =	sst s2  }
0x7: {  	_ = 	snop  }
0x8: {  	s2 =	sld [smem:$0x3FD0];
	(tm) =	ssettm $0x1  }
0x9: {  	s19 =	sld [smem:$0x3FFB];
	_ =	sdelay $0x3  }
0xa: {  	_ =	strace s19  }
0xb: {  	s3 =	sld [smem:$0x3FFC];
	_ =	sdelay $0x3  }
0xc: {  	_ =	strace s3  }
0xd: {  	s3 =	sld [smem:$0x3FFD];
	_ =	sdelay $0x3  }
0xe: {  	_ =	strace s3  }
0xf: {  	_ =	strace $0x8FFFFFFF  }
0x10: {  	s20 =	sld [smem:$0x3FDB];
	_ =	sdelay $0x1  }
0x11: {  	s4 =	simm.s32 $_scs_section_size  }
0x12: {  	s5 =	simm.s32 $_size__tile_overlayer_lowered;
	s6 =	simm.s32 $_tile_overlayer_lowered  }
0x13: {  	s23 =	simm.s32 $0x1BFF;
	s22 =	sshll.u32 s6, $0x1;
	s3 =	sadd.s32 s4, s20  }
0x14: {  	s7 =	simm.s32 $0x0;
	s21 =	sshll.u32 s5, $0x1;
	s5 =	sadd.s32 s22, s3  }
0x15: {  	[timem:s7], [sflag:s23] =	dma.local [hbm:s5], s21  }
0x16: {  	_ =	swait.ge [sflag:s23], s21  }
0x17: {  	s4 =	ssub.s32 $0x0, s21;
	[sflag:s23] =	ssyncset.done $0x0  }
0x18: {  	[sflag:s23] =	ssyncadd.s32 s4;
	_ =	sdelay $0x1  }
0x19: {  	s24 =	simm.s32 $0x1B8B  }
0x1a: {  	_ =	swait.ge [sflag:s24], $0x1  }
0x1b: {  	[sflag:s24] =	ssyncset.done $0x0  }
0x1c: {  	s26 =	simm.s32 $0x1B8E;
	s25 =	sld [smem:$0x3FFE];
	[sflag:s24] =	ssyncadd.s32 $0xFFFFFFFF  }
0x1d: {  	s27 =	simm.s32 $execute0_lowered;
	[smem:$0x3FD2] =	sst s26  }
0x1e: {  	s5 =	sshll.u32 s27, $0x1;
	_ =	strace $0x80000049;
	[dreg:$0x1] =	wrdreg $0xFFFFFFFF  }
0x1f: {  	s28 =	simm.s32 $_size_execute0_lowered;
	s3 =	sadd.s32 s3, s5;
	[dreg:$0x0] =	wrdreg $0x0  }
0x20: {  	s5 =	sshll.u32 s28, $0x1;
	[dreg:$0x2] =	wrdreg s3  }
0x21: {  	[dreg:$0x3] =	wrdreg s5  }
0x22: {  	[dreg:$0x4] =	wrdreg $0xC0  }
0x23: {  	_ =	task [dreg:s7], $0x5FFFF  }
0x24: {  	[dreg:$0x1] =	wrdreg $0xFFFFFFFF  }
0x25: {  	[dreg:$0x0] =	wrdreg $0x60  }
0x26: {  	[dreg:$0x2] =	wrdreg s25  }
0x27: {  	[dreg:$0x3] =	wrdreg s2  }
0x28: {  	[dreg:$0x4] =	wrdreg $0x9  }
0x29: {  	_ =	task.clear_ibuf [dreg:s7], $0x5FFFF;
	_ =	strace $0x90000049  }
0x2a: {  	s29 =	simm.s32 $0x9;
	_ =	strace $0x8000004B  }
0x2b: {  	_ =	swait.ge [sflag:s29], $0x1  }
0x2c: {  	[sflag:s29] =	ssyncadd.s32 $0xFFFFFFFF  }
0x2d: {  	_ =	strace $0x9000004B  }
0x2e: {  	_ =	sfence  }
0x2f: {  	s30 =	sld [smem:$0x0];
	_ =	sdelay $0x2  }
0x30: {  	s31 =	sshll.u32 s1, $0xD;
	s1 =	sshrl.u32 s1, $0x2  }
0x31: {  	s3 =	sand.u32 $0x4000, s31;
	s1 =	sadd.s32 s1, s30  }
0x32: {  	s0 =	sor.u32 s3, s0;
	s1 =	sshll.u32 s1, $0x11  }
0x33: {  	s0 =	sor.u32 s1, s0  }
0x34: {  	s0 =	sadd.s32 $0x8F2B, s0  }
0x35: {  	[sflag:s0] =	ssyncadd.remote.s32 $0x1  }
0x36: {  	_ =	sfence.sel $0xFFFF  }
0x37: {  	[dreg:$0x0] =	wrdreg $0xFFFFFFFF;
	(pc) =	sbr.abs _section_cstart, $3  }
0x38: {  	[dreg:$0x1] =	wrdreg $0xFFFFFFFF  }
0x39: {  	_ =	task.clear_ibuf [dreg:s7], $0x2FFFF;
	_ =	strace $0x9FFFFFFF  }
0x3a: {  	(tm) =	ssettm $0x7FFFFFFF  }
0x3b: {  	_ =	shalt  }
tec
execute0_lowered:
.L_overlay_start_1:
0x0: {  	(tag) =	ssettag $0x1  }
0x1: {  	s7 =	rddreg [dreg:$0x0];
	s0 =	stileid.u32  }
0x2: {  	s1 =	srdreg.scid;
	_ =	strace $0x8000004A;
	s28 =	simm.s32 $0x1  }
0x3: {  	s30 =	simm.s32 $0x2;
	s3 =	sshll.u32 s0, $0x4;
	s4 =	sshll.u32 s1, $0x8  }
0x4: {  	s14 =	simm.s32 $0x0;
	s5 =	sshrl.u32 s0, $0x1;
	s6 =	sor.u32 s3, s4  }
0x5: {  	s4 =	sand.u32 $0x1, s5;
	s5 =	sand.u32 $0x1, s0;
	s21 =	sand.u32 $0x1C0, s6  }
0x6: {  	s26 =	ssub.s32 $0x4, s5;
	s8 =	ssub.s32 $0x2, s4;
	s9 =	ssub.s32 $0x200, s21  }
0x7: {  	s10 =	sshrl.u32 s8, $0x1;
	s8 =	sand.u32 $0x1, s8;
	s11 =	sand.u32 $0x1C0, s9  }
0x8: {  	s8 =	sadd.s32 s8, s10;
	s10 =	simm.s32 $0x1;
	p0 =	sne.s32 s11, $0x0  }
0x9: {  	s9 =	sshrl.u32 s9, $0x9;
	s8 =	smul.u32 s8, s26;
	s10 =	simm.s32 @!p0 $0x0  }
0xa: {  	s16 =	simm.s32 $0x0;
	s15 =	simm.s32 $0x0;
	s9 =	sadd.s32 s10, s9  }
0xb: {  	s17 =	simm.s32 $0x0;
	s27 =	sshll.u32 s4, $0xE;
	s8 =	smul.u32 s9, s8  }
.Ltmp0:
0xc: {  	s29 =	sadd.s32 s27, s7;
	s31 =	sshll.u32 s21, $0x5;
	(pc) =	sbr.rel .LBB1_1-.Ltmp0, $4  }
0xd: {  	s13 =	simm.s32 $0x0;
	s7 =	smul.u32 $0x7, s8;
	s8 =	sadd.s32 s31, s29  }
0xe: {  	[sflag:s28] =	ssyncpa.u1 $0x0;
	[dreg:$0x3] =	wrdreg s21;
	s6 =	sadd.s32 $0x1200, s8  }
0xf: {  	[sflag:s30] =	ssyncpa.u1 $0x0;
	s8 =	sadd.s32 $0x1, s7;
	[dreg:$0x4] =	wrdreg s6  }
0x10: {  	s12 =	smov.u32 s5;
	s11 =	simm.s32 $0x0;
	[dreg:$0x5] =	wrdreg s8  }
.LBB1_4:
0x11: {  	_ =	sdelay $0x3  }
0x12: {  	[tilespmem:v1+s28+$0x0 ss:$0x1] =	vst.idx.msk $0xffff, v7  }
0x13: {  	s0 =	sor.u32 s30, s29;
	v46 =	vld.idx.msk [tilespmem:v0+s20+$0x0 ss:$0x1], $0xffff;
	[tilespmem:v1+s26+$0x0 ss:$0x1] =	vst.idx.msk $0xffff, v6  }
0x14: {  	v47 =	vld.idx.msk [tilespmem:v0+s19+$0x0 ss:$0x1], $0xffff;
	[tilespmem:v1+s21+$0x0 ss:$0x1] =	vst.idx.msk $0xffff, v4;
	s3 =	sor.u32 $0x410, s0  }
0x15: {  	[tilespmem:v1+s25+$0x0 ss:$0x1] =	vst.idx.msk $0xffff, v3;
	s21 =	sor.u32 $0x430, s0;
	v48 =	vld.idx.msk [tilespmem:v0+s3+$0x0 ss:$0x1], $0xffff  }
0x16: {  	[tilespmem:v1+s22+$0x0 ss:$0x1] =	vst.idx.msk $0xffff, v5;
	s22 =	sor.u32 $0x440, s0;
	v59 =	vld.idx.msk [tilespmem:v0+s21+$0x0 ss:$0x1], $0xffff  }
0x17: {  	[tilespmem:v1+s23+$0x0 ss:$0x1] =	vst.idx.msk $0xffff, v2;
	s23 =	sor.u32 $0x450, s0;
	v60 =	vld.idx.msk [tilespmem:v0+s22+$0x0 ss:$0x1], $0xffff  }
0x18: {  	s1 =	sand.u32 $0x80, s24;
	s2 =	sand.u32 $0x3B00, s0;
	s24 =	sor.u32 $0x460, s0;
	v61 =	vld.idx.msk [tilespmem:v0+s23+$0x0 ss:$0x1], $0xffff;
	[tilespmem:v1+s20+$0x0 ss:$0x1] =	vst.idx.msk $0xffff, v46  }
0x19: {  	s1 =	sor.u32 s1, s2;
	v62 =	vld.idx.msk [tilespmem:v0+s24+$0x0 ss:$0x1], $0xffff;
	[tilespmem:v1+s19+$0x0 ss:$0x1] =	vst.idx.msk $0xffff, v47  }
0x1a: {  	v49 =	vld.idx.msk [tilespmem:v0+s1+$0x0 ss:$0x1], $0xffff;
	s2 =	sor.u32 $0x400, s1;
	[tilespmem:v1+s3+$0x0 ss:$0x1] =	vst.idx.msk $0xffff, v48  }
0x1b: {  	s4 =	sor.u32 $0x10, s1;
	v50 =	vld.idx.msk [tilespmem:v0+s2+$0x0 ss:$0x1], $0xffff;
	[tilespmem:v1+s21+$0x0 ss:$0x1] =	vst.idx.msk $0xffff, v59  }
0x1c: {  	s5 =	sor.u32 $0x20, s1;
	v51 =	vld.idx.msk [tilespmem:v0+s4+$0x0 ss:$0x1], $0xffff;
	[tilespmem:v1+s22+$0x0 ss:$0x1] =	vst.idx.msk $0xffff, v60  }
0x1d: {  	s6 =	sor.u32 $0x30, s1;
	v52 =	vld.idx.msk [tilespmem:v0+s5+$0x0 ss:$0x1], $0xffff;
	[tilespmem:v1+s23+$0x0 ss:$0x1] =	vst.idx.msk $0xffff, v61  }
0x1e: {  	s10 =	sor.u32 $0x40, s1;
	v53 =	vld.idx.msk [tilespmem:v0+s6+$0x0 ss:$0x1], $0xffff;
	[tilespmem:v1+s24+$0x0 ss:$0x1] =	vst.idx.msk $0xffff, v62  }
0x1f: {  	s30 =	sor.u32 $0x50, s1;
	v54 =	vld.idx.msk [tilespmem:v0+s10+$0x0 ss:$0x1], $0xffff;
	[tilespmem:v1+s1+$0x0 ss:$0x1] =	vst.idx.msk $0xffff, v49  }
0x20: {  	s31 =	sor.u32 $0x60, s1;
	v55 =	vld.idx.msk [tilespmem:v0+s30+$0x0 ss:$0x1], $0xffff;
	[tilespmem:v1+s2+$0x0 ss:$0x1] =	vst.idx.msk $0xffff, v50  }
0x21: {  	v56 =	vld.idx.msk [tilespmem:v0+s31+$0x0 ss:$0x1], $0xffff;
	s20 =	sor.u32 $0x420, s0;
	[tilespmem:v1+s4+$0x0 ss:$0x1] =	vst.idx.msk $0xffff, v51  }
0x22: {  	s0 =	sor.u32 $0x470, s0;
	v58 =	vld.idx.msk [tilespmem:v0+s20+$0x0 ss:$0x1], $0xffff;
	[tilespmem:v1+s5+$0x0 ss:$0x1] =	vst.idx.msk $0xffff, v52  }
0x23: {  	v63 =	vld.idx.msk [tilespmem:v0+s0+$0x0 ss:$0x1], $0xffff;
	s1 =	sor.u32 $0x70, s1;
	[tilespmem:v1+s6+$0x0 ss:$0x1] =	vst.idx.msk $0xffff, v53  }
0x24: {  	v57 =	vld.idx.msk [tilespmem:v0+s1+$0x0 ss:$0x1], $0xffff;
	[tilespmem:v1+s10+$0x0 ss:$0x1] =	vst.idx.msk $0xffff, v54  }
0x25: {  	[tilespmem:v1+s30+$0x0 ss:$0x1] =	vst.idx.msk $0xffff, v55  }
0x26: {  	[tilespmem:v1+s31+$0x0 ss:$0x1] =	vst.idx.msk $0xffff, v56  }
0x27: {  	s25 =	smul.u32 $0x1C000, s17;
	[tilespmem:v1+s20+$0x0 ss:$0x1] =	vst.idx.msk $0xffff, v58  }
0x28: {  	s26 =	smul.u32 $0xC4000, s16;
	s28 =	rddreg [dreg:$0x1];
	[tilespmem:v1+s0+$0x0 ss:$0x1] =	vst.idx.msk $0xffff, v63  }
0x29: {  	s27 =	sshll.u32 s15, $0xE;
	s29 =	sshll.u32 s14, $0x5;
	[tilespmem:v1+s1+$0x0 ss:$0x1] =	vst.idx.msk $0xffff, v57;
	s1 =	sadd.s32 s28, s25  }
0x2a: {  	s31 =	simm.s32 $0x0;
	s1 =	sadd.s32 s27, s1;
	s21 =	rddreg [dreg:$0x3]  }
0x2b: {  	s4 =	smov.u32 s8;
	s6 =	rddreg [dreg:$0x4];
	s1 =	sadd.s32 s26, s1  }
0x2c: {  	s5 =	smov.u32 s9;
	s8 =	rddreg [dreg:$0x5];
	s30 =	sadd.s32 s29, s1  }
0x2d: {  	[hbm4b:s30+s31] =	stream.linear.scatter [tilespmem:s18], [sflag:$0x2], $0x4000, $0x38;
	[tilespmem:$0x10000] =	vst v63  }
.LBB1_5:
0x2e: {  	s0 =	sadd.s32 $0x1, s11  }
0x2f: {  	s2 =	sadd.s32 $0x2, s12;
	s3 =	smov.u32 s12;
	p1 =	sgt.s32 s0, $0x6  }
0x30: {  	s3 =	smov.u32 @p1 s2  }
0x31: {  	s0 =	simm.s32 @p1 $0x0;
	p1 =	sgt.s32 s3, $0x6  }
0x32: {  	s3 =	smov.u32 @p1 s5;
	p1 =	sne.s32 s13, s8  }
.Ltmp1:
0x33: {  	p0 =	slt.u32 s13, $0x2;
	(pc) =	sbr.rel @!p1 .LBB1_6-.Ltmp1, $4  }
0x34: {  	s31 =	sadd.s32 $0x1, s13;
	s15 =	smov.u32 s11;
	s1 =	simm.s32 @!p0 $0x2  }
0x35: {  	s17 =	smov.u32 s12;
	s14 =	smov.u32 s21;
	_ =	swait.ge @!p0 [sflag:s1], $0x4000  }
0x36: {  	s16 =	smov.u32 s4;
	[sflag:s1] =	ssyncset.done @!p0 $0x0;
	s11 =	smov.u32 s0  }
0x37: {  	[sflag:s1] =	ssyncadd.s32 @!p0 $0xFFFFC000;
	s13 =	smov.u32 s31;
	s12 =	smov.u32 s3  }
.LBB1_1:
0x38: {  	p0 =	sge.u32 s13, s7  }
0x39: {  	s18 =	smul.u32 @!p0 $0x38000, s12  }
0x3a: {  	s31 =	sadd.s32 $0xFFFFFFFF, s13;
	s19 =	sxor.u32 @!p0 $0xFFFFFFFF, s13  }
0x3b: {  	s20 =	sshll.u32 @!p0 s11, $0xF;
	s19 =	sshll.u32 @!p0 s19, $0xE;
	s18 =	sadd.s32 @!p0 s18, s6  }
0x3c: {  	s19 =	sand.u32 @!p0 $0x4000, s19;
	s18 =	sadd.s32 @!p0 s20, s18;
	s20 =	simm.s32 @!p0 $0x0  }
0x3d: {  	[tilespmem:s19], [sflag:$0x1] =	stream.linear.gather @!p0 [hbm4b:s18+s20], $0x4000, $0x38;
	[tilespmem:$0x10000] =	vst v63  }
0x3e: {  	p0 =	sge.u32 s31, s7  }
.Ltmp2:
0x3f: {  	_ = 	snop;
	(pc) =	sbr.rel @p0 .LBB1_5-.Ltmp2, $1  }
0x40: {  	_ =	sdelay $0x3  }
0x41: {  	s18 =	sshll.u32 s13, $0xE  }
0x42: {  	s18 =	sand.u32 $0x4000, s18  }
0x43: {  	v0 =	vmov s18  }
0x44: {  	s0 =	simm.s32 $0x1;
	s19 =	simm.s32 $0x0  }
0x45: {  	_ =	swait.ge [sflag:s0], $0x4000;
	s20 =	sand.u32 $0x3800, s19;
	s21 =	sand.u32 $0x380, s19  }
0x46: {  	s19 =	sand.u32 $0x80, s19;
	[sflag:s0] =	ssyncset.done $0x0;
	s24 =	sor.u32 s21, s20  }
0x47: {  	[sflag:s0] =	ssyncadd.s32 $0xFFFFC000;
	s20 =	sand.u32 $0x3B00, s24;
	s21 =	sor.u32 $0x410, s24  }
0x48: {  	s18 =	sor.u32 $0x8000, s18;
	s19 =	sor.u32 s19, s20;
	v2 =	vld.idx.msk [tilespmem:v0+s21+$0x0 ss:$0x1], $0xffff  }
0x49: {  	v1 =	vmov s18;
	s20 =	sor.u32 $0x400, s19;
	v3 =	vld.idx.msk [tilespmem:v0+s19+$0x0 ss:$0x1], $0xffff  }
0x4a: {  	s22 =	sor.u32 $0x10, s19;
	v4 =	vld.idx.msk [tilespmem:v0+s20+$0x0 ss:$0x1], $0xffff  }
0x4b: {  	s23 =	sor.u32 $0x20, s19;
	v5 =	vld.idx.msk [tilespmem:v0+s22+$0x0 ss:$0x1], $0xffff  }
0x4c: {  	s27 =	sor.u32 $0x30, s19;
	v8 =	vld.idx.msk [tilespmem:v0+s23+$0x0 ss:$0x1], $0xffff  }
0x4d: {  	s29 =	sor.u32 $0x40, s19;
	v9 =	vld.idx.msk [tilespmem:v0+s27+$0x0 ss:$0x1], $0xffff  }
0x4e: {  	s31 =	sor.u32 $0x50, s19;
	v10 =	vld.idx.msk [tilespmem:v0+s29+$0x0 ss:$0x1], $0xffff;
	[tilespmem:v1+s21+$0x0 ss:$0x1] =	vst.idx.msk $0xffff, v2  }
0x4f: {  	s28 =	sor.u32 $0x60, s19;
	v11 =	vld.idx.msk [tilespmem:v0+s31+$0x0 ss:$0x1], $0xffff;
	[tilespmem:v1+s19+$0x0 ss:$0x1] =	vst.idx.msk $0xffff, v3  }
0x50: {  	s26 =	sor.u32 $0x70, s19;
	v7 =	vld.idx.msk [tilespmem:v0+s28+$0x0 ss:$0x1], $0xffff;
	[tilespmem:v1+s20+$0x0 ss:$0x1] =	vst.idx.msk $0xffff, v4  }
0x51: {  	s25 =	sor.u32 $0x430, s24;
	v6 =	vld.idx.msk [tilespmem:v0+s26+$0x0 ss:$0x1], $0xffff;
	[tilespmem:v1+s22+$0x0 ss:$0x1] =	vst.idx.msk $0xffff, v5  }
0x52: {  	s9 =	smov.u32 s5;
	s8 =	smov.u32 s4;
	s21 =	sor.u32 $0x420, s24;
	[tilespmem:v1+s23+$0x0 ss:$0x1] =	vst.idx.msk $0xffff, v8;
	v3 =	vld.idx.msk [tilespmem:v0+s25+$0x0 ss:$0x1], $0xffff  }
0x53: {  	s30 =	simm.s32 $0x100;
	s23 =	sor.u32 $0x440, s24;
	s22 =	sor.u32 $0x450, s24;
	[tilespmem:v1+s27+$0x0 ss:$0x1] =	vst.idx.msk $0xffff, v9;
	v4 =	vld.idx.msk [tilespmem:v0+s21+$0x0 ss:$0x1], $0xffff  }
0x54: {  	s20 =	sor.u32 $0x460, s24;
	s19 =	sor.u32 $0x470, s24;
	[tilespmem:v1+s29+$0x0 ss:$0x1] =	vst.idx.msk $0xffff, v10;
	s24 =	simm.s32 $0x80;
	v2 =	vld.idx.msk [tilespmem:v0+s23+$0x0 ss:$0x1], $0xffff  }
0x55: {  	s29 =	sand.u32 $0x3800, s30;
	s27 =	simm.s32 $0x200;
	[tilespmem:v1+s31+$0x0 ss:$0x1] =	vst.idx.msk $0xffff, v11;
	s30 =	sand.u32 $0x380, s24;
	v5 =	vld.idx.msk [tilespmem:v0+s22+$0x0 ss:$0x1], $0xffff  }
.LBB1_3:
0x56: {  	p0 =	sne.s32 s27, $0x3F00;
	s29 =	sor.u32 s30, s29;
	[tilespmem:v1+s28+$0x0 ss:$0x1] =	vst.idx.msk $0xffff, v7;
	v7 =	vld.idx.msk [tilespmem:v0+s20+$0x0 ss:$0x1], $0xffff  }
0x57: {  	s28 =	sand.u32 $0x80, s24;
	s30 =	sand.u32 $0x3B00, s29;
	s31 =	sor.u32 $0x410, s29;
	[tilespmem:v1+s26+$0x0 ss:$0x1] =	vst.idx.msk $0xffff, v6;
	v6 =	vld.idx.msk [tilespmem:v0+s19+$0x0 ss:$0x1], $0xffff  }
0x58: {  	s1 =	sor.u32 $0x430, s29;
	s30 =	sor.u32 s28, s30;
	v8 =	vld.idx.msk [tilespmem:v0+s31+$0x0 ss:$0x1], $0xffff;
	[tilespmem:v1+s21+$0x0 ss:$0x1] =	vst.idx.msk $0xffff, v4;
	s21 =	sor.u32 $0x420, s29  }
0x59: {  	v4 =	vld.idx.msk [tilespmem:v0+s30+$0x0 ss:$0x1], $0xffff;
	s0 =	sor.u32 $0x10, s30;
	s2 =	sor.u32 $0x20, s30;
	s10 =	sor.u32 $0x400, s30;
	[tilespmem:v1+s25+$0x0 ss:$0x1] =	vst.idx.msk $0xffff, v3  }
0x5a: {  	s6 =	sor.u32 $0x30, s30;
	s3 =	sor.u32 $0x40, s30;
	s4 =	sor.u32 $0x50, s30;
	v3 =	vld.idx.msk [tilespmem:v0+s10+$0x0 ss:$0x1], $0xffff;
	[tilespmem:v1+s23+$0x0 ss:$0x1] =	vst.idx.msk $0xffff, v2  }
0x5b: {  	s28 =	sor.u32 $0x60, s30;
	s26 =	sor.u32 $0x70, s30;
	s23 =	sor.u32 $0x440, s29;
	v2 =	vld.idx.msk [tilespmem:v0+s0+$0x0 ss:$0x1], $0xffff;
	[tilespmem:v1+s22+$0x0 ss:$0x1] =	vst.idx.msk $0xffff, v5  }
0x5c: {  	s5 =	sor.u32 $0x470, s29;
	s22 =	sor.u32 $0x450, s29;
	v5 =	vld.idx.msk [tilespmem:v0+s2+$0x0 ss:$0x1], $0xffff;
	[tilespmem:v1+s20+$0x0 ss:$0x1] =	vst.idx.msk $0xffff, v7;
	s20 =	sor.u32 $0x460, s29  }
0x5d: {  	s25 =	smov.u32 s1;
	v9 =	vld.idx.msk [tilespmem:v0+s6+$0x0 ss:$0x1], $0xffff;
	[tilespmem:v1+s19+$0x0 ss:$0x1] =	vst.idx.msk $0xffff, v6;
	s19 =	smov.u32 s5  }
0x5e: {  	v10 =	vld.idx.msk [tilespmem:v0+s3+$0x0 ss:$0x1], $0xffff;
	[tilespmem:v1+s31+$0x0 ss:$0x1] =	vst.idx.msk $0xffff, v8  }
0x5f: {  	[tilespmem:v1+s30+$0x0 ss:$0x1] =	vst.idx.msk $0xffff, v4;
	v8 =	vld.idx.msk [tilespmem:v0+s4+$0x0 ss:$0x1], $0xffff  }
0x60: {  	v7 =	vld.idx.msk [tilespmem:v0+s28+$0x0 ss:$0x1], $0xffff;
	[tilespmem:v1+s10+$0x0 ss:$0x1] =	vst.idx.msk $0xffff, v3  }
.Ltmp3:
0x61: {  	[tilespmem:v1+s0+$0x0 ss:$0x1] =	vst.idx.msk $0xffff, v2;
	v6 =	vld.idx.msk [tilespmem:v0+s26+$0x0 ss:$0x1], $0xffff;
	(pc) =	sbr.rel @p0 .LBB1_3-.Ltmp3, $4  }
0x62: {  	[tilespmem:v1+s2+$0x0 ss:$0x1] =	vst.idx.msk $0xffff, v5;
	v4 =	vld.idx.msk [tilespmem:v0+s21+$0x0 ss:$0x1], $0xffff  }
0x63: {  	[tilespmem:v1+s6+$0x0 ss:$0x1] =	vst.idx.msk $0xffff, v9;
	v3 =	vld.idx.msk [tilespmem:v0+s25+$0x0 ss:$0x1], $0xffff  }
0x64: {  	s24 =	sadd.s32 $0x80, s24;
	[tilespmem:v1+s3+$0x0 ss:$0x1] =	vst.idx.msk $0xffff, v10;
	v2 =	vld.idx.msk [tilespmem:v0+s23+$0x0 ss:$0x1], $0xffff  }
0x65: {  	s29 =	sand.u32 $0x3800, s27;
	s27 =	sadd.s32 $0x100, s27;
	s30 =	sand.u32 $0x380, s24;
	[tilespmem:v1+s4+$0x0 ss:$0x1] =	vst.idx.msk $0xffff, v8;
	v5 =	vld.idx.msk [tilespmem:v0+s22+$0x0 ss:$0x1], $0xffff  }
.Ltmp4:
0x66: {  	_ = 	snop;
	(pc) =	sbr.rel .LBB1_4-.Ltmp4, $1  }
0x67: {  	_ =	sdelay $0x3  }
.LBB1_6:
0x68: {  	_ =	sfence.sel $0x180000  }
0x69: {  	s0 =	simm.s32 $0x1;
	[bflag:$0x0] =	sbarrier.arrive $0xFFFF  }
0x6a: {  	s30 =	simm.s32 $0x2;
	[sflag:s0] =	ssyncpa.u1 $0x1  }
0x6b: {  	[sflag:s30] =	ssyncpa.u1 $0x1  }
0x6c: {  	_ =	strace $0x9000004A  }
0x6d: {  	s31 =	stileid.u32;
	[bflag:$0x2] =	sbarrier.arrive $0xFFFF  }
0x6e: {  	p0 =	sne.s32 s31, $0x0;
	s0 =	rddreg [dreg:$0x2]  }
0x6f: {  	s0 =	sadd.s32 @!p0 $0x100000, s0  }
0x70: {  	[sflag:s0] =	ssyncadd.tile.s32 @!p0 $0x1;
	_ =	shalt  }
.Lfunc_end1:
_tile_overlayer_lowered:
.L_overlay_start_2:
0x71: {  	(tag) =	ssettag $0x2  }
0x72: {  	s0 =	rddreg [dreg:$0x0];
	s2 =	stileid.u32  }
0x73: {  	s1 =	rddreg [dreg:$0x1];
	p0 =	sne.s32 s2, $0x0  }
0x74: {  	s3 =	rddreg [dreg:$0x2];
	[bflag:$0x3] =	sbarrier.arrive $0xFFFF;
	s2 =	simm.s32 @!p0 $0x1C01  }
0x75: {  	[timem:s3], [sflag:s2] =	dma.local @!p0 [hbm:s0], s1  }
0x76: {  	s0 =	simm.s32 @!p0 $0x1  }
0x77: {  	_ =	swait.ge @!p0 [sflag:s0], s1  }
0x78: {  	s1 =	ssub.s32 @!p0 $0x0, s1;
	[sflag:s0] =	ssyncset.done @!p0 $0x0  }
0x79: {  	[sflag:s0] =	ssyncadd.s32 @!p0 s1  }
0x7a: {  	[bflag:$0x3] =	sbarrier.arrive $0xFFFF  }
0x7b: {  	_ =	shalt  }

</sc_bundles>
